<compile_context>
chip_gen: v7x
topology: tpu7x:2x2x1
jax: 0.10.2.dev20260603
libtpu: 0.0.44.dev20260713+nightly
codegen_flags: <defaults>
</compile_context>

<pallas_src>
import functools

import jax
import jax.numpy as jnp
from jax import lax
from jax.experimental import pallas as pl
from jax.experimental.pallas import tpu as pltpu
from jax.experimental.pallas import tpu_sc as plsc

_DIM = 64
_CH = 128
_NBUF = 5


@functools.cache
def _make_kernel(B):
    info = plsc.get_sparse_core_info()
    nc, ns = info.num_cores, info.num_subcores
    nw = nc * ns
    bpw = B // nw
    nidx = bpw // _CH
    nchunk = bpw // _CH
    nouter = nchunk // _NBUF
    mesh = plsc.VectorSubcoreMesh(core_axis_name="c", subcore_axis_name="s")

    scratch = [pltpu.VMEM((nidx, _CH), jnp.int32)]
    scratch += [pltpu.VMEM((_CH, 128), jnp.float32) for _ in range(_NBUF)]
    scratch += [pltpu.SemaphoreType.DMA for _ in range(2 * _NBUF + 1)]

    @functools.partial(
        pl.kernel,
        mesh=mesh,
        out_type=jax.ShapeDtypeStruct((B, 128), jnp.float32),
        scratch_types=scratch,
        compiler_params=pltpu.CompilerParams(use_tc_tiling_on_sc=False),
    )
    def k(idx_hbm, table_hbm, out_hbm, idx_v, *bufs_and_sems):
        rows = bufs_and_sems[:_NBUF]
        gsem = bufs_and_sems[_NBUF:2 * _NBUF]
        wsem = bufs_and_sems[2 * _NBUF:3 * _NBUF]
        isem = bufs_and_sems[3 * _NBUF]

        wid = lax.axis_index("s") * nc + lax.axis_index("c")
        base = wid * bpw

        pltpu.async_copy(
            idx_hbm.at[pl.ds(wid * nidx, nidx)], idx_v, isem
        ).wait()

        def fire_gather(g, b):
            pltpu.async_copy(table_hbm.at[idx_v.at[g]], rows[b], gsem[b])

        def drain_gather(b):
            pltpu.make_async_copy(
                table_hbm.at[pl.ds(0, _CH)], rows[b], gsem[b]
            ).wait()

        def fire_writeback(g, b):
            off = pl.multiple_of(base + g * _CH, _CH)
            pltpu.async_copy(
                rows[b].at[:, pl.ds(0, _DIM)],
                out_hbm.at[pl.ds(off, _CH), pl.ds(0, _DIM)],
                wsem[b],
            )

        def wait_writeback(b):
            pltpu.make_async_copy(
                rows[b].at[:, pl.ds(0, _DIM)],
                out_hbm.at[pl.ds(0, _CH), pl.ds(0, _DIM)],
                wsem[b],
            ).wait()

        for b in range(_NBUF):
            fire_gather(b, b)

        def body(s, carry):
            for b in range(_NBUF):
                g = s * _NBUF + b
                drain_gather(b)
                fire_writeback(g, b)
                wait_writeback(b)
                fire_gather(g + _NBUF, b)
            return carry

        lax.fori_loop(0, nouter - 1, body, 0)

        for b in range(_NBUF):
            g = (nouter - 1) * _NBUF + b
            drain_gather(b)
            fire_writeback(g, b)
        for b in range(_NBUF):
            wait_writeback(b)

    return k


def kernel(to_embed, table):
    batch, hist = to_embed.shape
    b = batch * hist
    idx = to_embed.reshape(b // _CH, _CH).astype(jnp.int32)
    table_pad = jnp.pad(table, ((0, 0), (0, 128 - _DIM)))
    out = _make_kernel(b)(idx, table_pad)
    return out.reshape(batch, hist, 128)[:, :, :_DIM]

# --- scband reference (transcript-rebuilt; emitter-appended) ---
"""Pipeline reference for scband-embedding-layer-83631603188004 (READ-ONLY COPY).

The authoritative reference and input builder live on the scoring server;
editing this copy changes nothing except your own understanding.
"""

import jax, jax.numpy as jnp
import numpy as np

VOCAB = 1000000
DIM = 64
PAD_IDX = 0
BATCH = 4096
HIST = 200


def setup_inputs(seed: int = 0) -> dict:
    key = jax.random.key(seed)
    k1, k2 = jax.random.split(key)
    # pretrained vectors (the nn.Embedding.from_pretrained table, trainable)
    table = jax.random.normal(k1, (VOCAB, DIM), dtype=jnp.float32)
    to_embed = jax.random.randint(k2, (BATCH, HIST), 0, VOCAB, dtype=jnp.int64)
    return {"to_embed": to_embed, "table": table}


def reference(to_embed, table):
    # EmbeddingLayer.forward: embeddings = self.embed(to_embed)
    embeddings = jnp.take(table, to_embed, axis=0)
    return embeddings

if __name__ == "__main__":
    import jax
    _d = setup_inputs()
    print(jax.jit(kernel)(*tuple(_d.values())))

</pallas_src>

<mosaic_0001>
#map = affine_map<(d0, d1) -> (0, 0)>
module attributes {stable_mosaic.version = 14 : i64} {
  func.func @k(%arg0: i32, %arg1: i32, %arg2: memref<6400x128xi32, #tpu.memory_space<hbm>>, %arg3: memref<1000000x128xf32, #tpu.memory_space<hbm>>, %arg4: memref<819200x128xf32, #tpu.memory_space<hbm>>, %arg5: memref<200x128xi32, #tpu.memory_space<vmem>>, %arg6: memref<128x128xf32, #tpu.memory_space<vmem>>, %arg7: memref<128x128xf32, #tpu.memory_space<vmem>>, %arg8: memref<128x128xf32, #tpu.memory_space<vmem>>, %arg9: memref<128x128xf32, #tpu.memory_space<vmem>>, %arg10: memref<128x128xf32, #tpu.memory_space<vmem>>, %arg11: memref<!tpu.dma_semaphore, #tpu.memory_space<semaphore_mem>>, %arg12: memref<!tpu.dma_semaphore, #tpu.memory_space<semaphore_mem>>, %arg13: memref<!tpu.dma_semaphore, #tpu.memory_space<semaphore_mem>>, %arg14: memref<!tpu.dma_semaphore, #tpu.memory_space<semaphore_mem>>, %arg15: memref<!tpu.dma_semaphore, #tpu.memory_space<semaphore_mem>>, %arg16: memref<!tpu.dma_semaphore, #tpu.memory_space<semaphore_mem>>, %arg17: memref<!tpu.dma_semaphore, #tpu.memory_space<semaphore_mem>>, %arg18: memref<!tpu.dma_semaphore, #tpu.memory_space<semaphore_mem>>, %arg19: memref<!tpu.dma_semaphore, #tpu.memory_space<semaphore_mem>>, %arg20: memref<!tpu.dma_semaphore, #tpu.memory_space<semaphore_mem>>, %arg21: memref<!tpu.dma_semaphore, #tpu.memory_space<semaphore_mem>>) attributes {dimension_semantics = [#tpu.dimension_semantics<core_parallel>, #tpu.dimension_semantics<subcore_parallel>], iteration_bounds = array<i64: 2, 16>, scalar_prefetch = 0 : i64, scratch_operands = 17 : i64, tpu.core_type = #tpu.core_type<sc_vector_subcore>, window_params = [{transform_indices = #map}, {transform_indices = #map}, {transform_indices = #map}]} {
    %mul3A = arith.constant 2 : i32
    %mul3A_0 = arith.muli %arg1, %mul3A : i32
    %add3A = arith.addi %mul3A_0, %arg0 : i32
    %mul3A_1 = arith.constant 25600 : i32
    %mul3A_2 = arith.muli %add3A, %mul3A_1 : i32
    %mul3A_3 = arith.constant 200 : i32
    %mul3A_4 = arith.muli %add3A, %mul3A_3 : i32
    %dma_start3A = arith.constant 0 : i32
    %dma_start3A_5 = tpu.memref_slice %arg2[%mul3A_4, %dma_start3A] : memref<6400x128xi32, #tpu.memory_space<hbm>> -> memref<200x128xi32, #tpu.memory_space<hbm>>
    %dma_start3A_6 = arith.constant 0 : i32
    %dma_start3A_7 = tpu.memref_slice %arg2[%mul3A_4, %dma_start3A_6] : memref<6400x128xi32, #tpu.memory_space<hbm>> -> memref<200x128xi32, #tpu.memory_space<hbm>>
    tpu.enqueue_dma source(%dma_start3A_7 : memref<200x128xi32, #tpu.memory_space<hbm>>) target(%arg5 : memref<200x128xi32, #tpu.memory_space<vmem>>) target_semaphore(%arg21 : memref<!tpu.dma_semaphore, #tpu.memory_space<semaphore_mem>>)
    %dma_wait3A = arith.constant 0 : i32
    %dma_wait3A_8 = tpu.memref_slice %arg2[%mul3A_4, %dma_wait3A] : memref<6400x128xi32, #tpu.memory_space<hbm>> -> memref<200x128xi32, #tpu.memory_space<hbm>>
    %dma_wait3A_9 = arith.constant 0 : i32
    %dma_wait3A_10 = tpu.memref_slice %arg2[%mul3A_4, %dma_wait3A_9] : memref<6400x128xi32, #tpu.memory_space<hbm>> -> memref<200x128xi32, #tpu.memory_space<hbm>>
    tpu.wait_dma2 semaphore(%arg21 : memref<!tpu.dma_semaphore, #tpu.memory_space<semaphore_mem>>) src(%dma_wait3A_10 : memref<200x128xi32, #tpu.memory_space<hbm>>) dst(%arg5 : memref<200x128xi32, #tpu.memory_space<vmem>>)
    %dma_start3A_11 = arith.constant 0 : i32
    %dma_start3A_12 = arith.constant 0 : i32
    %dma_start3A_13 = tpu.memref_slice %arg5[%dma_start3A_11, %dma_start3A_12] : memref<200x128xi32, #tpu.memory_space<vmem>> -> memref<1x128xi32, #tpu.memory_space<vmem>>
    %dma_start3A_14 = tpu.memref_squeeze %dma_start3A_13 : memref<1x128xi32, #tpu.memory_space<vmem>> -> memref<128xi32, #tpu.memory_space<vmem>>
    %dma_start3A_15 = arith.constant 0 : i32
    %dma_start3A_16 = arith.constant 0 : i32
    %dma_start3A_17 = tpu.memref_slice %arg3[%dma_start3A_15, %dma_start3A_16] : memref<1000000x128xf32, #tpu.memory_space<hbm>> -> memref<1000000x128xf32, #tpu.memory_space<hbm>>
    tpu.enqueue_indirect_dma source(%dma_start3A_17 : memref<1000000x128xf32, #tpu.memory_space<hbm>>) target(%arg6 : memref<128x128xf32, #tpu.memory_space<vmem>>) offsets(%dma_start3A_14 : memref<128xi32, #tpu.memory_space<vmem>>) semaphore(%arg11 : memref<!tpu.dma_semaphore, #tpu.memory_space<semaphore_mem>>)
    %dma_start3A_18 = arith.constant 1 : i32
    %dma_start3A_19 = arith.constant 0 : i32
    %dma_start3A_20 = tpu.memref_slice %arg5[%dma_start3A_18, %dma_start3A_19] : memref<200x128xi32, #tpu.memory_space<vmem>> -> memref<1x128xi32, #tpu.memory_space<vmem>>
    %dma_start3A_21 = tpu.memref_squeeze %dma_start3A_20 : memref<1x128xi32, #tpu.memory_space<vmem>> -> memref<128xi32, #tpu.memory_space<vmem>>
    %dma_start3A_22 = arith.constant 0 : i32
    %dma_start3A_23 = arith.constant 0 : i32
    %dma_start3A_24 = tpu.memref_slice %arg3[%dma_start3A_22, %dma_start3A_23] : memref<1000000x128xf32, #tpu.memory_space<hbm>> -> memref<1000000x128xf32, #tpu.memory_space<hbm>>
    tpu.enqueue_indirect_dma source(%dma_start3A_24 : memref<1000000x128xf32, #tpu.memory_space<hbm>>) target(%arg7 : memref<128x128xf32, #tpu.memory_space<vmem>>) offsets(%dma_start3A_21 : memref<128xi32, #tpu.memory_space<vmem>>) semaphore(%arg12 : memref<!tpu.dma_semaphore, #tpu.memory_space<semaphore_mem>>)
    %dma_start3A_25 = arith.constant 2 : i32
    %dma_start3A_26 = arith.constant 0 : i32
    %dma_start3A_27 = tpu.memref_slice %arg5[%dma_start3A_25, %dma_start3A_26] : memref<200x128xi32, #tpu.memory_space<vmem>> -> memref<1x128xi32, #tpu.memory_space<vmem>>
    %dma_start3A_28 = tpu.memref_squeeze %dma_start3A_27 : memref<1x128xi32, #tpu.memory_space<vmem>> -> memref<128xi32, #tpu.memory_space<vmem>>
    %dma_start3A_29 = arith.constant 0 : i32
    %dma_start3A_30 = arith.constant 0 : i32
    %dma_start3A_31 = tpu.memref_slice %arg3[%dma_start3A_29, %dma_start3A_30] : memref<1000000x128xf32, #tpu.memory_space<hbm>> -> memref<1000000x128xf32, #tpu.memory_space<hbm>>
    tpu.enqueue_indirect_dma source(%dma_start3A_31 : memref<1000000x128xf32, #tpu.memory_space<hbm>>) target(%arg8 : memref<128x128xf32, #tpu.memory_space<vmem>>) offsets(%dma_start3A_28 : memref<128xi32, #tpu.memory_space<vmem>>) semaphore(%arg13 : memref<!tpu.dma_semaphore, #tpu.memory_space<semaphore_mem>>)
    %dma_start3A_32 = arith.constant 3 : i32
    %dma_start3A_33 = arith.constant 0 : i32
    %dma_start3A_34 = tpu.memref_slice %arg5[%dma_start3A_32, %dma_start3A_33] : memref<200x128xi32, #tpu.memory_space<vmem>> -> memref<1x128xi32, #tpu.memory_space<vmem>>
    %dma_start3A_35 = tpu.memref_squeeze %dma_start3A_34 : memref<1x128xi32, #tpu.memory_space<vmem>> -> memref<128xi32, #tpu.memory_space<vmem>>
    %dma_start3A_36 = arith.constant 0 : i32
    %dma_start3A_37 = arith.constant 0 : i32
    %dma_start3A_38 = tpu.memref_slice %arg3[%dma_start3A_36, %dma_start3A_37] : memref<1000000x128xf32, #tpu.memory_space<hbm>> -> memref<1000000x128xf32, #tpu.memory_space<hbm>>
    tpu.enqueue_indirect_dma source(%dma_start3A_38 : memref<1000000x128xf32, #tpu.memory_space<hbm>>) target(%arg9 : memref<128x128xf32, #tpu.memory_space<vmem>>) offsets(%dma_start3A_35 : memref<128xi32, #tpu.memory_space<vmem>>) semaphore(%arg14 : memref<!tpu.dma_semaphore, #tpu.memory_space<semaphore_mem>>)
    %dma_start3A_39 = arith.constant 4 : i32
    %dma_start3A_40 = arith.constant 0 : i32
    %dma_start3A_41 = tpu.memref_slice %arg5[%dma_start3A_39, %dma_start3A_40] : memref<200x128xi32, #tpu.memory_space<vmem>> -> memref<1x128xi32, #tpu.memory_space<vmem>>
    %dma_start3A_42 = tpu.memref_squeeze %dma_start3A_41 : memref<1x128xi32, #tpu.memory_space<vmem>> -> memref<128xi32, #tpu.memory_space<vmem>>
    %dma_start3A_43 = arith.constant 0 : i32
    %dma_start3A_44 = arith.constant 0 : i32
    %dma_start3A_45 = tpu.memref_slice %arg3[%dma_start3A_43, %dma_start3A_44] : memref<1000000x128xf32, #tpu.memory_space<hbm>> -> memref<1000000x128xf32, #tpu.memory_space<hbm>>
    tpu.enqueue_indirect_dma source(%dma_start3A_45 : memref<1000000x128xf32, #tpu.memory_space<hbm>>) target(%arg10 : memref<128x128xf32, #tpu.memory_space<vmem>>) offsets(%dma_start3A_42 : memref<128xi32, #tpu.memory_space<vmem>>) semaphore(%arg15 : memref<!tpu.dma_semaphore, #tpu.memory_space<semaphore_mem>>)
    %scan3A = arith.constant 0 : i32
    %scan3A_46 = arith.constant 0 : i32
    %scan3A_47 = arith.constant 39 : i32
    %scan3A_48 = arith.addi %scan3A_46, %scan3A_47 : i32
    %scan3A_49 = arith.constant 1 : i32
    scf.for %scan3A_205 = %scan3A_46 to %scan3A_48 step %scan3A_49  : i32 {
      %mul3A_206 = arith.constant 5 : i32
      %mul3A_207 = arith.muli %scan3A_205, %mul3A_206 : i32
      %add3A_208 = arith.constant 0 : i32
      %add3A_209 = arith.addi %mul3A_207, %add3A_208 : i32
      %dma_wait3A_210 = arith.constant 0 : i32
      %dma_wait3A_211 = arith.constant 0 : i32
      %dma_wait3A_212 = tpu.memref_slice %arg3[%dma_wait3A_210, %dma_wait3A_211] : memref<1000000x128xf32, #tpu.memory_space<hbm>> -> memref<128x128xf32, #tpu.memory_space<hbm>>
      %dma_wait3A_213 = arith.constant 0 : i32
      %dma_wait3A_214 = arith.constant 0 : i32
      %dma_wait3A_215 = tpu.memref_slice %arg3[%dma_wait3A_213, %dma_wait3A_214] : memref<1000000x128xf32, #tpu.memory_space<hbm>> -> memref<128x128xf32, #tpu.memory_space<hbm>>
      tpu.wait_dma2 semaphore(%arg11 : memref<!tpu.dma_semaphore, #tpu.memory_space<semaphore_mem>>) src(%dma_wait3A_215 : memref<128x128xf32, #tpu.memory_space<hbm>>) dst(%arg6 : memref<128x128xf32, #tpu.memory_space<vmem>>)
      %mul3A_216 = arith.constant 128 : i32
      %mul3A_217 = arith.muli %add3A_209, %mul3A_216 : i32
      %add3A_218 = arith.addi %mul3A_2, %mul3A_217 : i32
      %multiple_of3A_219 = tpu.assume_multiple %add3A_218, 128 : i32
      %dma_start3A_220 = arith.constant 0 : i32
      %dma_start3A_221 = arith.constant 0 : i32
      %dma_start3A_222 = tpu.memref_slice %arg6[%dma_start3A_220, %dma_start3A_221] : memref<128x128xf32, #tpu.memory_space<vmem>> -> memref<128x64xf32, #tpu.memory_space<vmem>>
      %dma_start3A_223 = arith.constant 0 : i32
      %dma_start3A_224 = tpu.memref_slice %arg4[%multiple_of3A_219, %dma_start3A_223] : memref<819200x128xf32, #tpu.memory_space<hbm>> -> memref<128x64xf32, #tpu.memory_space<hbm>>
      %dma_start3A_225 = arith.constant 0 : i32
      %dma_start3A_226 = tpu.memref_slice %arg4[%multiple_of3A_219, %dma_start3A_225] : memref<819200x128xf32, #tpu.memory_space<hbm>> -> memref<128x64xf32, #tpu.memory_space<hbm>>
      %dma_start3A_227 = arith.constant 0 : i32
      %dma_start3A_228 = arith.constant 0 : i32
      %dma_start3A_229 = tpu.memref_slice %arg6[%dma_start3A_227, %dma_start3A_228] : memref<128x128xf32, #tpu.memory_space<vmem>> -> memref<128x64xf32, #tpu.memory_space<vmem>>
      tpu.enqueue_dma source(%dma_start3A_229 : memref<128x64xf32, #tpu.memory_space<vmem>>) target(%dma_start3A_226 : memref<128x64xf32, #tpu.memory_space<hbm>>) target_semaphore(%arg16 : memref<!tpu.dma_semaphore, #tpu.memory_space<semaphore_mem>>)
      %dma_wait3A_230 = arith.constant 0 : i32
      %dma_wait3A_231 = arith.constant 0 : i32
      %dma_wait3A_232 = tpu.memref_slice %arg6[%dma_wait3A_230, %dma_wait3A_231] : memref<128x128xf32, #tpu.memory_space<vmem>> -> memref<128x64xf32, #tpu.memory_space<vmem>>
      %dma_wait3A_233 = arith.constant 0 : i32
      %dma_wait3A_234 = arith.constant 0 : i32
      %dma_wait3A_235 = tpu.memref_slice %arg4[%dma_wait3A_233, %dma_wait3A_234] : memref<819200x128xf32, #tpu.memory_space<hbm>> -> memref<128x64xf32, #tpu.memory_space<hbm>>
      %dma_wait3A_236 = arith.constant 0 : i32
      %dma_wait3A_237 = arith.constant 0 : i32
      %dma_wait3A_238 = tpu.memref_slice %arg4[%dma_wait3A_236, %dma_wait3A_237] : memref<819200x128xf32, #tpu.memory_space<hbm>> -> memref<128x64xf32, #tpu.memory_space<hbm>>
      %dma_wait3A_239 = arith.constant 0 : i32
      %dma_wait3A_240 = arith.constant 0 : i32
      %dma_wait3A_241 = tpu.memref_slice %arg6[%dma_wait3A_239, %dma_wait3A_240] : memref<128x128xf32, #tpu.memory_space<vmem>> -> memref<128x64xf32, #tpu.memory_space<vmem>>
      tpu.wait_dma2 semaphore(%arg16 : memref<!tpu.dma_semaphore, #tpu.memory_space<semaphore_mem>>) src(%dma_wait3A_241 : memref<128x64xf32, #tpu.memory_space<vmem>>) dst(%dma_wait3A_238 : memref<128x64xf32, #tpu.memory_space<hbm>>)
      %add3A_242 = arith.constant 5 : i32
      %add3A_243 = arith.addi %add3A_209, %add3A_242 : i32
      %dma_start3A_244 = arith.constant 0 : i32
      %dma_start3A_245 = tpu.memref_slice %arg5[%add3A_243, %dma_start3A_244] : memref<200x128xi32, #tpu.memory_space<vmem>> -> memref<1x128xi32, #tpu.memory_space<vmem>>
      %dma_start3A_246 = tpu.memref_squeeze %dma_start3A_245 : memref<1x128xi32, #tpu.memory_space<vmem>> -> memref<128xi32, #tpu.memory_space<vmem>>
      %dma_start3A_247 = arith.constant 0 : i32
      %dma_start3A_248 = arith.constant 0 : i32
      %dma_start3A_249 = tpu.memref_slice %arg3[%dma_start3A_247, %dma_start3A_248] : memref<1000000x128xf32, #tpu.memory_space<hbm>> -> memref<1000000x128xf32, #tpu.memory_space<hbm>>
      tpu.enqueue_indirect_dma source(%dma_start3A_249 : memref<1000000x128xf32, #tpu.memory_space<hbm>>) target(%arg6 : memref<128x128xf32, #tpu.memory_space<vmem>>) offsets(%dma_start3A_246 : memref<128xi32, #tpu.memory_space<vmem>>) semaphore(%arg11 : memref<!tpu.dma_semaphore, #tpu.memory_space<semaphore_mem>>)
      %mul3A_250 = arith.constant 5 : i32
      %mul3A_251 = arith.muli %scan3A_205, %mul3A_250 : i32
      %add3A_252 = arith.constant 1 : i32
      %add3A_253 = arith.addi %mul3A_251, %add3A_252 : i32
      %dma_wait3A_254 = arith.constant 0 : i32
      %dma_wait3A_255 = arith.constant 0 : i32
      %dma_wait3A_256 = tpu.memref_slice %arg3[%dma_wait3A_254, %dma_wait3A_255] : memref<1000000x128xf32, #tpu.memory_space<hbm>> -> memref<128x128xf32, #tpu.memory_space<hbm>>
      %dma_wait3A_257 = arith.constant 0 : i32
      %dma_wait3A_258 = arith.constant 0 : i32
      %dma_wait3A_259 = tpu.memref_slice %arg3[%dma_wait3A_257, %dma_wait3A_258] : memref<1000000x128xf32, #tpu.memory_space<hbm>> -> memref<128x128xf32, #tpu.memory_space<hbm>>
      tpu.wait_dma2 semaphore(%arg12 : memref<!tpu.dma_semaphore, #tpu.memory_space<semaphore_mem>>) src(%dma_wait3A_259 : memref<128x128xf32, #tpu.memory_space<hbm>>) dst(%arg7 : memref<128x128xf32, #tpu.memory_space<vmem>>)
      %mul3A_260 = arith.constant 128 : i32
      %mul3A_261 = arith.muli %add3A_253, %mul3A_260 : i32
      %add3A_262 = arith.addi %mul3A_2, %mul3A_261 : i32
      %multiple_of3A_263 = tpu.assume_multiple %add3A_262, 128 : i32
      %dma_start3A_264 = arith.constant 0 : i32
      %dma_start3A_265 = arith.constant 0 : i32
      %dma_start3A_266 = tpu.memref_slice %arg7[%dma_start3A_264, %dma_start3A_265] : memref<128x128xf32, #tpu.memory_space<vmem>> -> memref<128x64xf32, #tpu.memory_space<vmem>>
      %dma_start3A_267 = arith.constant 0 : i32
      %dma_start3A_268 = tpu.memref_slice %arg4[%multiple_of3A_263, %dma_start3A_267] : memref<819200x128xf32, #tpu.memory_space<hbm>> -> memref<128x64xf32, #tpu.memory_space<hbm>>
      %dma_start3A_269 = arith.constant 0 : i32
      %dma_start3A_270 = tpu.memref_slice %arg4[%multiple_of3A_263, %dma_start3A_269] : memref<819200x128xf32, #tpu.memory_space<hbm>> -> memref<128x64xf32, #tpu.memory_space<hbm>>
      %dma_start3A_271 = arith.constant 0 : i32
      %dma_start3A_272 = arith.constant 0 : i32
      %dma_start3A_273 = tpu.memref_slice %arg7[%dma_start3A_271, %dma_start3A_272] : memref<128x128xf32, #tpu.memory_space<vmem>> -> memref<128x64xf32, #tpu.memory_space<vmem>>
      tpu.enqueue_dma source(%dma_start3A_273 : memref<128x64xf32, #tpu.memory_space<vmem>>) target(%dma_start3A_270 : memref<128x64xf32, #tpu.memory_space<hbm>>) target_semaphore(%arg17 : memref<!tpu.dma_semaphore, #tpu.memory_space<semaphore_mem>>)
      %dma_wait3A_274 = arith.constant 0 : i32
      %dma_wait3A_275 = arith.constant 0 : i32
      %dma_wait3A_276 = tpu.memref_slice %arg7[%dma_wait3A_274, %dma_wait3A_275] : memref<128x128xf32, #tpu.memory_space<vmem>> -> memref<128x64xf32, #tpu.memory_space<vmem>>
      %dma_wait3A_277 = arith.constant 0 : i32
      %dma_wait3A_278 = arith.constant 0 : i32
      %dma_wait3A_279 = tpu.memref_slice %arg4[%dma_wait3A_277, %dma_wait3A_278] : memref<819200x128xf32, #tpu.memory_space<hbm>> -> memref<128x64xf32, #tpu.memory_space<hbm>>
      %dma_wait3A_280 = arith.constant 0 : i32
      %dma_wait3A_281 = arith.constant 0 : i32
      %dma_wait3A_282 = tpu.memref_slice %arg4[%dma_wait3A_280, %dma_wait3A_281] : memref<819200x128xf32, #tpu.memory_space<hbm>> -> memref<128x64xf32, #tpu.memory_space<hbm>>
      %dma_wait3A_283 = arith.constant 0 : i32
      %dma_wait3A_284 = arith.constant 0 : i32
      %dma_wait3A_285 = tpu.memref_slice %arg7[%dma_wait3A_283, %dma_wait3A_284] : memref<128x128xf32, #tpu.memory_space<vmem>> -> memref<128x64xf32, #tpu.memory_space<vmem>>
      tpu.wait_dma2 semaphore(%arg17 : memref<!tpu.dma_semaphore, #tpu.memory_space<semaphore_mem>>) src(%dma_wait3A_285 : memref<128x64xf32, #tpu.memory_space<vmem>>) dst(%dma_wait3A_282 : memref<128x64xf32, #tpu.memory_space<hbm>>)
      %add3A_286 = arith.constant 5 : i32
      %add3A_287 = arith.addi %add3A_253, %add3A_286 : i32
      %dma_start3A_288 = arith.constant 0 : i32
      %dma_start3A_289 = tpu.memref_slice %arg5[%add3A_287, %dma_start3A_288] : memref<200x128xi32, #tpu.memory_space<vmem>> -> memref<1x128xi32, #tpu.memory_space<vmem>>
      %dma_start3A_290 = tpu.memref_squeeze %dma_start3A_289 : memref<1x128xi32, #tpu.memory_space<vmem>> -> memref<128xi32, #tpu.memory_space<vmem>>
      %dma_start3A_291 = arith.constant 0 : i32
      %dma_start3A_292 = arith.constant 0 : i32
      %dma_start3A_293 = tpu.memref_slice %arg3[%dma_start3A_291, %dma_start3A_292] : memref<1000000x128xf32, #tpu.memory_space<hbm>> -> memref<1000000x128xf32, #tpu.memory_space<hbm>>
      tpu.enqueue_indirect_dma source(%dma_start3A_293 : memref<1000000x128xf32, #tpu.memory_space<hbm>>) target(%arg7 : memref<128x128xf32, #tpu.memory_space<vmem>>) offsets(%dma_start3A_290 : memref<128xi32, #tpu.memory_space<vmem>>) semaphore(%arg12 : memref<!tpu.dma_semaphore, #tpu.memory_space<semaphore_mem>>)
      %mul3A_294 = arith.constant 5 : i32
      %mul3A_295 = arith.muli %scan3A_205, %mul3A_294 : i32
      %add3A_296 = arith.constant 2 : i32
      %add3A_297 = arith.addi %mul3A_295, %add3A_296 : i32
      %dma_wait3A_298 = arith.constant 0 : i32
      %dma_wait3A_299 = arith.constant 0 : i32
      %dma_wait3A_300 = tpu.memref_slice %arg3[%dma_wait3A_298, %dma_wait3A_299] : memref<1000000x128xf32, #tpu.memory_space<hbm>> -> memref<128x128xf32, #tpu.memory_space<hbm>>
      %dma_wait3A_301 = arith.constant 0 : i32
      %dma_wait3A_302 = arith.constant 0 : i32
      %dma_wait3A_303 = tpu.memref_slice %arg3[%dma_wait3A_301, %dma_wait3A_302] : memref<1000000x128xf32, #tpu.memory_space<hbm>> -> memref<128x128xf32, #tpu.memory_space<hbm>>
      tpu.wait_dma2 semaphore(%arg13 : memref<!tpu.dma_semaphore, #tpu.memory_space<semaphore_mem>>) src(%dma_wait3A_303 : memref<128x128xf32, #tpu.memory_space<hbm>>) dst(%arg8 : memref<128x128xf32, #tpu.memory_space<vmem>>)
      %mul3A_304 = arith.constant 128 : i32
      %mul3A_305 = arith.muli %add3A_297, %mul3A_304 : i32
      %add3A_306 = arith.addi %mul3A_2, %mul3A_305 : i32
      %multiple_of3A_307 = tpu.assume_multiple %add3A_306, 128 : i32
      %dma_start3A_308 = arith.constant 0 : i32
      %dma_start3A_309 = arith.constant 0 : i32
      %dma_start3A_310 = tpu.memref_slice %arg8[%dma_start3A_308, %dma_start3A_309] : memref<128x128xf32, #tpu.memory_space<vmem>> -> memref<128x64xf32, #tpu.memory_space<vmem>>
      %dma_start3A_311 = arith.constant 0 : i32
      %dma_start3A_312 = tpu.memref_slice %arg4[%multiple_of3A_307, %dma_start3A_311] : memref<819200x128xf32, #tpu.memory_space<hbm>> -> memref<128x64xf32, #tpu.memory_space<hbm>>
      %dma_start3A_313 = arith.constant 0 : i32
      %dma_start3A_314 = tpu.memref_slice %arg4[%multiple_of3A_307, %dma_start3A_313] : memref<819200x128xf32, #tpu.memory_space<hbm>> -> memref<128x64xf32, #tpu.memory_space<hbm>>
      %dma_start3A_315 = arith.constant 0 : i32
      %dma_start3A_316 = arith.constant 0 : i32
      %dma_start3A_317 = tpu.memref_slice %arg8[%dma_start3A_315, %dma_start3A_316] : memref<128x128xf32, #tpu.memory_space<vmem>> -> memref<128x64xf32, #tpu.memory_space<vmem>>
      tpu.enqueue_dma source(%dma_start3A_317 : memref<128x64xf32, #tpu.memory_space<vmem>>) target(%dma_start3A_314 : memref<128x64xf32, #tpu.memory_space<hbm>>) target_semaphore(%arg18 : memref<!tpu.dma_semaphore, #tpu.memory_space<semaphore_mem>>)
      %dma_wait3A_318 = arith.constant 0 : i32
      %dma_wait3A_319 = arith.constant 0 : i32
      %dma_wait3A_320 = tpu.memref_slice %arg8[%dma_wait3A_318, %dma_wait3A_319] : memref<128x128xf32, #tpu.memory_space<vmem>> -> memref<128x64xf32, #tpu.memory_space<vmem>>
      %dma_wait3A_321 = arith.constant 0 : i32
      %dma_wait3A_322 = arith.constant 0 : i32
      %dma_wait3A_323 = tpu.memref_slice %arg4[%dma_wait3A_321, %dma_wait3A_322] : memref<819200x128xf32, #tpu.memory_space<hbm>> -> memref<128x64xf32, #tpu.memory_space<hbm>>
      %dma_wait3A_324 = arith.constant 0 : i32
      %dma_wait3A_325 = arith.constant 0 : i32
      %dma_wait3A_326 = tpu.memref_slice %arg4[%dma_wait3A_324, %dma_wait3A_325] : memref<819200x128xf32, #tpu.memory_space<hbm>> -> memref<128x64xf32, #tpu.memory_space<hbm>>
      %dma_wait3A_327 = arith.constant 0 : i32
      %dma_wait3A_328 = arith.constant 0 : i32
      %dma_wait3A_329 = tpu.memref_slice %arg8[%dma_wait3A_327, %dma_wait3A_328] : memref<128x128xf32, #tpu.memory_space<vmem>> -> memref<128x64xf32, #tpu.memory_space<vmem>>
      tpu.wait_dma2 semaphore(%arg18 : memref<!tpu.dma_semaphore, #tpu.memory_space<semaphore_mem>>) src(%dma_wait3A_329 : memref<128x64xf32, #tpu.memory_space<vmem>>) dst(%dma_wait3A_326 : memref<128x64xf32, #tpu.memory_space<hbm>>)
      %add3A_330 = arith.constant 5 : i32
      %add3A_331 = arith.addi %add3A_297, %add3A_330 : i32
      %dma_start3A_332 = arith.constant 0 : i32
      %dma_start3A_333 = tpu.memref_slice %arg5[%add3A_331, %dma_start3A_332] : memref<200x128xi32, #tpu.memory_space<vmem>> -> memref<1x128xi32, #tpu.memory_space<vmem>>
      %dma_start3A_334 = tpu.memref_squeeze %dma_start3A_333 : memref<1x128xi32, #tpu.memory_space<vmem>> -> memref<128xi32, #tpu.memory_space<vmem>>
      %dma_start3A_335 = arith.constant 0 : i32
      %dma_start3A_336 = arith.constant 0 : i32
      %dma_start3A_337 = tpu.memref_slice %arg3[%dma_start3A_335, %dma_start3A_336] : memref<1000000x128xf32, #tpu.memory_space<hbm>> -> memref<1000000x128xf32, #tpu.memory_space<hbm>>
      tpu.enqueue_indirect_dma source(%dma_start3A_337 : memref<1000000x128xf32, #tpu.memory_space<hbm>>) target(%arg8 : memref<128x128xf32, #tpu.memory_space<vmem>>) offsets(%dma_start3A_334 : memref<128xi32, #tpu.memory_space<vmem>>) semaphore(%arg13 : memref<!tpu.dma_semaphore, #tpu.memory_space<semaphore_mem>>)
      %mul3A_338 = arith.constant 5 : i32
      %mul3A_339 = arith.muli %scan3A_205, %mul3A_338 : i32
      %add3A_340 = arith.constant 3 : i32
      %add3A_341 = arith.addi %mul3A_339, %add3A_340 : i32
      %dma_wait3A_342 = arith.constant 0 : i32
      %dma_wait3A_343 = arith.constant 0 : i32
      %dma_wait3A_344 = tpu.memref_slice %arg3[%dma_wait3A_342, %dma_wait3A_343] : memref<1000000x128xf32, #tpu.memory_space<hbm>> -> memref<128x128xf32, #tpu.memory_space<hbm>>
      %dma_wait3A_345 = arith.constant 0 : i32
      %dma_wait3A_346 = arith.constant 0 : i32
      %dma_wait3A_347 = tpu.memref_slice %arg3[%dma_wait3A_345, %dma_wait3A_346] : memref<1000000x128xf32, #tpu.memory_space<hbm>> -> memref<128x128xf32, #tpu.memory_space<hbm>>
      tpu.wait_dma2 semaphore(%arg14 : memref<!tpu.dma_semaphore, #tpu.memory_space<semaphore_mem>>) src(%dma_wait3A_347 : memref<128x128xf32, #tpu.memory_space<hbm>>) dst(%arg9 : memref<128x128xf32, #tpu.memory_space<vmem>>)
      %mul3A_348 = arith.constant 128 : i32
      %mul3A_349 = arith.muli %add3A_341, %mul3A_348 : i32
      %add3A_350 = arith.addi %mul3A_2, %mul3A_349 : i32
      %multiple_of3A_351 = tpu.assume_multiple %add3A_350, 128 : i32
      %dma_start3A_352 = arith.constant 0 : i32
      %dma_start3A_353 = arith.constant 0 : i32
      %dma_start3A_354 = tpu.memref_slice %arg9[%dma_start3A_352, %dma_start3A_353] : memref<128x128xf32, #tpu.memory_space<vmem>> -> memref<128x64xf32, #tpu.memory_space<vmem>>
      %dma_start3A_355 = arith.constant 0 : i32
      %dma_start3A_356 = tpu.memref_slice %arg4[%multiple_of3A_351, %dma_start3A_355] : memref<819200x128xf32, #tpu.memory_space<hbm>> -> memref<128x64xf32, #tpu.memory_space<hbm>>
      %dma_start3A_357 = arith.constant 0 : i32
      %dma_start3A_358 = tpu.memref_slice %arg4[%multiple_of3A_351, %dma_start3A_357] : memref<819200x128xf32, #tpu.memory_space<hbm>> -> memref<128x64xf32, #tpu.memory_space<hbm>>
      %dma_start3A_359 = arith.constant 0 : i32
      %dma_start3A_360 = arith.constant 0 : i32
      %dma_start3A_361 = tpu.memref_slice %arg9[%dma_start3A_359, %dma_start3A_360] : memref<128x128xf32, #tpu.memory_space<vmem>> -> memref<128x64xf32, #tpu.memory_space<vmem>>
      tpu.enqueue_dma source(%dma_start3A_361 : memref<128x64xf32, #tpu.memory_space<vmem>>) target(%dma_start3A_358 : memref<128x64xf32, #tpu.memory_space<hbm>>) target_semaphore(%arg19 : memref<!tpu.dma_semaphore, #tpu.memory_space<semaphore_mem>>)
      %dma_wait3A_362 = arith.constant 0 : i32
      %dma_wait3A_363 = arith.constant 0 : i32
      %dma_wait3A_364 = tpu.memref_slice %arg9[%dma_wait3A_362, %dma_wait3A_363] : memref<128x128xf32, #tpu.memory_space<vmem>> -> memref<128x64xf32, #tpu.memory_space<vmem>>
      %dma_wait3A_365 = arith.constant 0 : i32
      %dma_wait3A_366 = arith.constant 0 : i32
      %dma_wait3A_367 = tpu.memref_slice %arg4[%dma_wait3A_365, %dma_wait3A_366] : memref<819200x128xf32, #tpu.memory_space<hbm>> -> memref<128x64xf32, #tpu.memory_space<hbm>>
      %dma_wait3A_368 = arith.constant 0 : i32
      %dma_wait3A_369 = arith.constant 0 : i32
      %dma_wait3A_370 = tpu.memref_slice %arg4[%dma_wait3A_368, %dma_wait3A_369] : memref<819200x128xf32, #tpu.memory_space<hbm>> -> memref<128x64xf32, #tpu.memory_space<hbm>>
      %dma_wait3A_371 = arith.constant 0 : i32
      %dma_wait3A_372 = arith.constant 0 : i32
      %dma_wait3A_373 = tpu.memref_slice %arg9[%dma_wait3A_371, %dma_wait3A_372] : memref<128x128xf32, #tpu.memory_space<vmem>> -> memref<128x64xf32, #tpu.memory_space<vmem>>
      tpu.wait_dma2 semaphore(%arg19 : memref<!tpu.dma_semaphore, #tpu.memory_space<semaphore_mem>>) src(%dma_wait3A_373 : memref<128x64xf32, #tpu.memory_space<vmem>>) dst(%dma_wait3A_370 : memref<128x64xf32, #tpu.memory_space<hbm>>)
      %add3A_374 = arith.constant 5 : i32
      %add3A_375 = arith.addi %add3A_341, %add3A_374 : i32
      %dma_start3A_376 = arith.constant 0 : i32
      %dma_start3A_377 = tpu.memref_slice %arg5[%add3A_375, %dma_start3A_376] : memref<200x128xi32, #tpu.memory_space<vmem>> -> memref<1x128xi32, #tpu.memory_space<vmem>>
      %dma_start3A_378 = tpu.memref_squeeze %dma_start3A_377 : memref<1x128xi32, #tpu.memory_space<vmem>> -> memref<128xi32, #tpu.memory_space<vmem>>
      %dma_start3A_379 = arith.constant 0 : i32
      %dma_start3A_380 = arith.constant 0 : i32
      %dma_start3A_381 = tpu.memref_slice %arg3[%dma_start3A_379, %dma_start3A_380] : memref<1000000x128xf32, #tpu.memory_space<hbm>> -> memref<1000000x128xf32, #tpu.memory_space<hbm>>
      tpu.enqueue_indirect_dma source(%dma_start3A_381 : memref<1000000x128xf32, #tpu.memory_space<hbm>>) target(%arg9 : memref<128x128xf32, #tpu.memory_space<vmem>>) offsets(%dma_start3A_378 : memref<128xi32, #tpu.memory_space<vmem>>) semaphore(%arg14 : memref<!tpu.dma_semaphore, #tpu.memory_space<semaphore_mem>>)
      %mul3A_382 = arith.constant 5 : i32
      %mul3A_383 = arith.muli %scan3A_205, %mul3A_382 : i32
      %add3A_384 = arith.constant 4 : i32
      %add3A_385 = arith.addi %mul3A_383, %add3A_384 : i32
      %dma_wait3A_386 = arith.constant 0 : i32
      %dma_wait3A_387 = arith.constant 0 : i32
      %dma_wait3A_388 = tpu.memref_slice %arg3[%dma_wait3A_386, %dma_wait3A_387] : memref<1000000x128xf32, #tpu.memory_space<hbm>> -> memref<128x128xf32, #tpu.memory_space<hbm>>
      %dma_wait3A_389 = arith.constant 0 : i32
      %dma_wait3A_390 = arith.constant 0 : i32
      %dma_wait3A_391 = tpu.memref_slice %arg3[%dma_wait3A_389, %dma_wait3A_390] : memref<1000000x128xf32, #tpu.memory_space<hbm>> -> memref<128x128xf32, #tpu.memory_space<hbm>>
      tpu.wait_dma2 semaphore(%arg15 : memref<!tpu.dma_semaphore, #tpu.memory_space<semaphore_mem>>) src(%dma_wait3A_391 : memref<128x128xf32, #tpu.memory_space<hbm>>) dst(%arg10 : memref<128x128xf32, #tpu.memory_space<vmem>>)
      %mul3A_392 = arith.constant 128 : i32
      %mul3A_393 = arith.muli %add3A_385, %mul3A_392 : i32
      %add3A_394 = arith.addi %mul3A_2, %mul3A_393 : i32
      %multiple_of3A_395 = tpu.assume_multiple %add3A_394, 128 : i32
      %dma_start3A_396 = arith.constant 0 : i32
      %dma_start3A_397 = arith.constant 0 : i32
      %dma_start3A_398 = tpu.memref_slice %arg10[%dma_start3A_396, %dma_start3A_397] : memref<128x128xf32, #tpu.memory_space<vmem>> -> memref<128x64xf32, #tpu.memory_space<vmem>>
      %dma_start3A_399 = arith.constant 0 : i32
      %dma_start3A_400 = tpu.memref_slice %arg4[%multiple_of3A_395, %dma_start3A_399] : memref<819200x128xf32, #tpu.memory_space<hbm>> -> memref<128x64xf32, #tpu.memory_space<hbm>>
      %dma_start3A_401 = arith.constant 0 : i32
      %dma_start3A_402 = tpu.memref_slice %arg4[%multiple_of3A_395, %dma_start3A_401] : memref<819200x128xf32, #tpu.memory_space<hbm>> -> memref<128x64xf32, #tpu.memory_space<hbm>>
      %dma_start3A_403 = arith.constant 0 : i32
      %dma_start3A_404 = arith.constant 0 : i32
      %dma_start3A_405 = tpu.memref_slice %arg10[%dma_start3A_403, %dma_start3A_404] : memref<128x128xf32, #tpu.memory_space<vmem>> -> memref<128x64xf32, #tpu.memory_space<vmem>>
      tpu.enqueue_dma source(%dma_start3A_405 : memref<128x64xf32, #tpu.memory_space<vmem>>) target(%dma_start3A_402 : memref<128x64xf32, #tpu.memory_space<hbm>>) target_semaphore(%arg20 : memref<!tpu.dma_semaphore, #tpu.memory_space<semaphore_mem>>)
      %dma_wait3A_406 = arith.constant 0 : i32
      %dma_wait3A_407 = arith.constant 0 : i32
      %dma_wait3A_408 = tpu.memref_slice %arg10[%dma_wait3A_406, %dma_wait3A_407] : memref<128x128xf32, #tpu.memory_space<vmem>> -> memref<128x64xf32, #tpu.memory_space<vmem>>
      %dma_wait3A_409 = arith.constant 0 : i32
      %dma_wait3A_410 = arith.constant 0 : i32
      %dma_wait3A_411 = tpu.memref_slice %arg4[%dma_wait3A_409, %dma_wait3A_410] : memref<819200x128xf32, #tpu.memory_space<hbm>> -> memref<128x64xf32, #tpu.memory_space<hbm>>
      %dma_wait3A_412 = arith.constant 0 : i32
      %dma_wait3A_413 = arith.constant 0 : i32
      %dma_wait3A_414 = tpu.memref_slice %arg4[%dma_wait3A_412, %dma_wait3A_413] : memref<819200x128xf32, #tpu.memory_space<hbm>> -> memref<128x64xf32, #tpu.memory_space<hbm>>
      %dma_wait3A_415 = arith.constant 0 : i32
      %dma_wait3A_416 = arith.constant 0 : i32
      %dma_wait3A_417 = tpu.memref_slice %arg10[%dma_wait3A_415, %dma_wait3A_416] : memref<128x128xf32, #tpu.memory_space<vmem>> -> memref<128x64xf32, #tpu.memory_space<vmem>>
      tpu.wait_dma2 semaphore(%arg20 : memref<!tpu.dma_semaphore, #tpu.memory_space<semaphore_mem>>) src(%dma_wait3A_417 : memref<128x64xf32, #tpu.memory_space<vmem>>) dst(%dma_wait3A_414 : memref<128x64xf32, #tpu.memory_space<hbm>>)
      %add3A_418 = arith.constant 5 : i32
      %add3A_419 = arith.addi %add3A_385, %add3A_418 : i32
      %dma_start3A_420 = arith.constant 0 : i32
      %dma_start3A_421 = tpu.memref_slice %arg5[%add3A_419, %dma_start3A_420] : memref<200x128xi32, #tpu.memory_space<vmem>> -> memref<1x128xi32, #tpu.memory_space<vmem>>
      %dma_start3A_422 = tpu.memref_squeeze %dma_start3A_421 : memref<1x128xi32, #tpu.memory_space<vmem>> -> memref<128xi32, #tpu.memory_space<vmem>>
      %dma_start3A_423 = arith.constant 0 : i32
      %dma_start3A_424 = arith.constant 0 : i32
      %dma_start3A_425 = tpu.memref_slice %arg3[%dma_start3A_423, %dma_start3A_424] : memref<1000000x128xf32, #tpu.memory_space<hbm>> -> memref<1000000x128xf32, #tpu.memory_space<hbm>>
      tpu.enqueue_indirect_dma source(%dma_start3A_425 : memref<1000000x128xf32, #tpu.memory_space<hbm>>) target(%arg10 : memref<128x128xf32, #tpu.memory_space<vmem>>) offsets(%dma_start3A_422 : memref<128xi32, #tpu.memory_space<vmem>>) semaphore(%arg15 : memref<!tpu.dma_semaphore, #tpu.memory_space<semaphore_mem>>)
    }
    %scan3A_50 = arith.constant 39 : i32
    %dma_wait3A_51 = arith.constant 0 : i32
    %dma_wait3A_52 = arith.constant 0 : i32
    %dma_wait3A_53 = tpu.memref_slice %arg3[%dma_wait3A_51, %dma_wait3A_52] : memref<1000000x128xf32, #tpu.memory_space<hbm>> -> memref<128x128xf32, #tpu.memory_space<hbm>>
    %dma_wait3A_54 = arith.constant 0 : i32
    %dma_wait3A_55 = arith.constant 0 : i32
    %dma_wait3A_56 = tpu.memref_slice %arg3[%dma_wait3A_54, %dma_wait3A_55] : memref<1000000x128xf32, #tpu.memory_space<hbm>> -> memref<128x128xf32, #tpu.memory_space<hbm>>
    tpu.wait_dma2 semaphore(%arg11 : memref<!tpu.dma_semaphore, #tpu.memory_space<semaphore_mem>>) src(%dma_wait3A_56 : memref<128x128xf32, #tpu.memory_space<hbm>>) dst(%arg6 : memref<128x128xf32, #tpu.memory_space<vmem>>)
    %add3A_57 = arith.constant 24960 : i32
    %add3A_58 = arith.addi %mul3A_2, %add3A_57 : i32
    %multiple_of3A = tpu.assume_multiple %add3A_58, 128 : i32
    %dma_start3A_59 = arith.constant 0 : i32
    %dma_start3A_60 = arith.constant 0 : i32
    %dma_start3A_61 = tpu.memref_slice %arg6[%dma_start3A_59, %dma_start3A_60] : memref<128x128xf32, #tpu.memory_space<vmem>> -> memref<128x64xf32, #tpu.memory_space<vmem>>
    %dma_start3A_62 = arith.constant 0 : i32
    %dma_start3A_63 = tpu.memref_slice %arg4[%multiple_of3A, %dma_start3A_62] : memref<819200x128xf32, #tpu.memory_space<hbm>> -> memref<128x64xf32, #tpu.memory_space<hbm>>
    %dma_start3A_64 = arith.constant 0 : i32
    %dma_start3A_65 = tpu.memref_slice %arg4[%multiple_of3A, %dma_start3A_64] : memref<819200x128xf32, #tpu.memory_space<hbm>> -> memref<128x64xf32, #tpu.memory_space<hbm>>
    %dma_start3A_66 = arith.constant 0 : i32
    %dma_start3A_67 = arith.constant 0 : i32
    %dma_start3A_68 = tpu.memref_slice %arg6[%dma_start3A_66, %dma_start3A_67] : memref<128x128xf32, #tpu.memory_space<vmem>> -> memref<128x64xf32, #tpu.memory_space<vmem>>
    tpu.enqueue_dma source(%dma_start3A_68 : memref<128x64xf32, #tpu.memory_space<vmem>>) target(%dma_start3A_65 : memref<128x64xf32, #tpu.memory_space<hbm>>) target_semaphore(%arg16 : memref<!tpu.dma_semaphore, #tpu.memory_space<semaphore_mem>>)
    %dma_wait3A_69 = arith.constant 0 : i32
    %dma_wait3A_70 = arith.constant 0 : i32
    %dma_wait3A_71 = tpu.memref_slice %arg3[%dma_wait3A_69, %dma_wait3A_70] : memref<1000000x128xf32, #tpu.memory_space<hbm>> -> memref<128x128xf32, #tpu.memory_space<hbm>>
    %dma_wait3A_72 = arith.constant 0 : i32
    %dma_wait3A_73 = arith.constant 0 : i32
    %dma_wait3A_74 = tpu.memref_slice %arg3[%dma_wait3A_72, %dma_wait3A_73] : memref<1000000x128xf32, #tpu.memory_space<hbm>> -> memref<128x128xf32, #tpu.memory_space<hbm>>
    tpu.wait_dma2 semaphore(%arg12 : memref<!tpu.dma_semaphore, #tpu.memory_space<semaphore_mem>>) src(%dma_wait3A_74 : memref<128x128xf32, #tpu.memory_space<hbm>>) dst(%arg7 : memref<128x128xf32, #tpu.memory_space<vmem>>)
    %add3A_75 = arith.constant 25088 : i32
    %add3A_76 = arith.addi %mul3A_2, %add3A_75 : i32
    %multiple_of3A_77 = tpu.assume_multiple %add3A_76, 128 : i32
    %dma_start3A_78 = arith.constant 0 : i32
    %dma_start3A_79 = arith.constant 0 : i32
    %dma_start3A_80 = tpu.memref_slice %arg7[%dma_start3A_78, %dma_start3A_79] : memref<128x128xf32, #tpu.memory_space<vmem>> -> memref<128x64xf32, #tpu.memory_space<vmem>>
    %dma_start3A_81 = arith.constant 0 : i32
    %dma_start3A_82 = tpu.memref_slice %arg4[%multiple_of3A_77, %dma_start3A_81] : memref<819200x128xf32, #tpu.memory_space<hbm>> -> memref<128x64xf32, #tpu.memory_space<hbm>>
    %dma_start3A_83 = arith.constant 0 : i32
    %dma_start3A_84 = tpu.memref_slice %arg4[%multiple_of3A_77, %dma_start3A_83] : memref<819200x128xf32, #tpu.memory_space<hbm>> -> memref<128x64xf32, #tpu.memory_space<hbm>>
    %dma_start3A_85 = arith.constant 0 : i32
    %dma_start3A_86 = arith.constant 0 : i32
    %dma_start3A_87 = tpu.memref_slice %arg7[%dma_start3A_85, %dma_start3A_86] : memref<128x128xf32, #tpu.memory_space<vmem>> -> memref<128x64xf32, #tpu.memory_space<vmem>>
    tpu.enqueue_dma source(%dma_start3A_87 : memref<128x64xf32, #tpu.memory_space<vmem>>) target(%dma_start3A_84 : memref<128x64xf32, #tpu.memory_space<hbm>>) target_semaphore(%arg17 : memref<!tpu.dma_semaphore, #tpu.memory_space<semaphore_mem>>)
    %dma_wait3A_88 = arith.constant 0 : i32
    %dma_wait3A_89 = arith.constant 0 : i32
    %dma_wait3A_90 = tpu.memref_slice %arg3[%dma_wait3A_88, %dma_wait3A_89] : memref<1000000x128xf32, #tpu.memory_space<hbm>> -> memref<128x128xf32, #tpu.memory_space<hbm>>
    %dma_wait3A_91 = arith.constant 0 : i32
    %dma_wait3A_92 = arith.constant 0 : i32
    %dma_wait3A_93 = tpu.memref_slice %arg3[%dma_wait3A_91, %dma_wait3A_92] : memref<1000000x128xf32, #tpu.memory_space<hbm>> -> memref<128x128xf32, #tpu.memory_space<hbm>>
    tpu.wait_dma2 semaphore(%arg13 : memref<!tpu.dma_semaphore, #tpu.memory_space<semaphore_mem>>) src(%dma_wait3A_93 : memref<128x128xf32, #tpu.memory_space<hbm>>) dst(%arg8 : memref<128x128xf32, #tpu.memory_space<vmem>>)
    %add3A_94 = arith.constant 25216 : i32
    %add3A_95 = arith.addi %mul3A_2, %add3A_94 : i32
    %multiple_of3A_96 = tpu.assume_multiple %add3A_95, 128 : i32
    %dma_start3A_97 = arith.constant 0 : i32
    %dma_start3A_98 = arith.constant 0 : i32
    %dma_start3A_99 = tpu.memref_slice %arg8[%dma_start3A_97, %dma_start3A_98] : memref<128x128xf32, #tpu.memory_space<vmem>> -> memref<128x64xf32, #tpu.memory_space<vmem>>
    %dma_start3A_100 = arith.constant 0 : i32
    %dma_start3A_101 = tpu.memref_slice %arg4[%multiple_of3A_96, %dma_start3A_100] : memref<819200x128xf32, #tpu.memory_space<hbm>> -> memref<128x64xf32, #tpu.memory_space<hbm>>
    %dma_start3A_102 = arith.constant 0 : i32
    %dma_start3A_103 = tpu.memref_slice %arg4[%multiple_of3A_96, %dma_start3A_102] : memref<819200x128xf32, #tpu.memory_space<hbm>> -> memref<128x64xf32, #tpu.memory_space<hbm>>
    %dma_start3A_104 = arith.constant 0 : i32
    %dma_start3A_105 = arith.constant 0 : i32
    %dma_start3A_106 = tpu.memref_slice %arg8[%dma_start3A_104, %dma_start3A_105] : memref<128x128xf32, #tpu.memory_space<vmem>> -> memref<128x64xf32, #tpu.memory_space<vmem>>
    tpu.enqueue_dma source(%dma_start3A_106 : memref<128x64xf32, #tpu.memory_space<vmem>>) target(%dma_start3A_103 : memref<128x64xf32, #tpu.memory_space<hbm>>) target_semaphore(%arg18 : memref<!tpu.dma_semaphore, #tpu.memory_space<semaphore_mem>>)
    %dma_wait3A_107 = arith.constant 0 : i32
    %dma_wait3A_108 = arith.constant 0 : i32
    %dma_wait3A_109 = tpu.memref_slice %arg3[%dma_wait3A_107, %dma_wait3A_108] : memref<1000000x128xf32, #tpu.memory_space<hbm>> -> memref<128x128xf32, #tpu.memory_space<hbm>>
    %dma_wait3A_110 = arith.constant 0 : i32
    %dma_wait3A_111 = arith.constant 0 : i32
    %dma_wait3A_112 = tpu.memref_slice %arg3[%dma_wait3A_110, %dma_wait3A_111] : memref<1000000x128xf32, #tpu.memory_space<hbm>> -> memref<128x128xf32, #tpu.memory_space<hbm>>
    tpu.wait_dma2 semaphore(%arg14 : memref<!tpu.dma_semaphore, #tpu.memory_space<semaphore_mem>>) src(%dma_wait3A_112 : memref<128x128xf32, #tpu.memory_space<hbm>>) dst(%arg9 : memref<128x128xf32, #tpu.memory_space<vmem>>)
    %add3A_113 = arith.constant 25344 : i32
    %add3A_114 = arith.addi %mul3A_2, %add3A_113 : i32
    %multiple_of3A_115 = tpu.assume_multiple %add3A_114, 128 : i32
    %dma_start3A_116 = arith.constant 0 : i32
    %dma_start3A_117 = arith.constant 0 : i32
    %dma_start3A_118 = tpu.memref_slice %arg9[%dma_start3A_116, %dma_start3A_117] : memref<128x128xf32, #tpu.memory_space<vmem>> -> memref<128x64xf32, #tpu.memory_space<vmem>>
    %dma_start3A_119 = arith.constant 0 : i32
    %dma_start3A_120 = tpu.memref_slice %arg4[%multiple_of3A_115, %dma_start3A_119] : memref<819200x128xf32, #tpu.memory_space<hbm>> -> memref<128x64xf32, #tpu.memory_space<hbm>>
    %dma_start3A_121 = arith.constant 0 : i32
    %dma_start3A_122 = tpu.memref_slice %arg4[%multiple_of3A_115, %dma_start3A_121] : memref<819200x128xf32, #tpu.memory_space<hbm>> -> memref<128x64xf32, #tpu.memory_space<hbm>>
    %dma_start3A_123 = arith.constant 0 : i32
    %dma_start3A_124 = arith.constant 0 : i32
    %dma_start3A_125 = tpu.memref_slice %arg9[%dma_start3A_123, %dma_start3A_124] : memref<128x128xf32, #tpu.memory_space<vmem>> -> memref<128x64xf32, #tpu.memory_space<vmem>>
    tpu.enqueue_dma source(%dma_start3A_125 : memref<128x64xf32, #tpu.memory_space<vmem>>) target(%dma_start3A_122 : memref<128x64xf32, #tpu.memory_space<hbm>>) target_semaphore(%arg19 : memref<!tpu.dma_semaphore, #tpu.memory_space<semaphore_mem>>)
    %dma_wait3A_126 = arith.constant 0 : i32
    %dma_wait3A_127 = arith.constant 0 : i32
    %dma_wait3A_128 = tpu.memref_slice %arg3[%dma_wait3A_126, %dma_wait3A_127] : memref<1000000x128xf32, #tpu.memory_space<hbm>> -> memref<128x128xf32, #tpu.memory_space<hbm>>
    %dma_wait3A_129 = arith.constant 0 : i32
    %dma_wait3A_130 = arith.constant 0 : i32
    %dma_wait3A_131 = tpu.memref_slice %arg3[%dma_wait3A_129, %dma_wait3A_130] : memref<1000000x128xf32, #tpu.memory_space<hbm>> -> memref<128x128xf32, #tpu.memory_space<hbm>>
    tpu.wait_dma2 semaphore(%arg15 : memref<!tpu.dma_semaphore, #tpu.memory_space<semaphore_mem>>) src(%dma_wait3A_131 : memref<128x128xf32, #tpu.memory_space<hbm>>) dst(%arg10 : memref<128x128xf32, #tpu.memory_space<vmem>>)
    %add3A_132 = arith.constant 25472 : i32
    %add3A_133 = arith.addi %mul3A_2, %add3A_132 : i32
    %multiple_of3A_134 = tpu.assume_multiple %add3A_133, 128 : i32
    %dma_start3A_135 = arith.constant 0 : i32
    %dma_start3A_136 = arith.constant 0 : i32
    %dma_start3A_137 = tpu.memref_slice %arg10[%dma_start3A_135, %dma_start3A_136] : memref<128x128xf32, #tpu.memory_space<vmem>> -> memref<128x64xf32, #tpu.memory_space<vmem>>
    %dma_start3A_138 = arith.constant 0 : i32
    %dma_start3A_139 = tpu.memref_slice %arg4[%multiple_of3A_134, %dma_start3A_138] : memref<819200x128xf32, #tpu.memory_space<hbm>> -> memref<128x64xf32, #tpu.memory_space<hbm>>
    %dma_start3A_140 = arith.constant 0 : i32
    %dma_start3A_141 = tpu.memref_slice %arg4[%multiple_of3A_134, %dma_start3A_140] : memref<819200x128xf32, #tpu.memory_space<hbm>> -> memref<128x64xf32, #tpu.memory_space<hbm>>
    %dma_start3A_142 = arith.constant 0 : i32
    %dma_start3A_143 = arith.constant 0 : i32
    %dma_start3A_144 = tpu.memref_slice %arg10[%dma_start3A_142, %dma_start3A_143] : memref<128x128xf32, #tpu.memory_space<vmem>> -> memref<128x64xf32, #tpu.memory_space<vmem>>
    tpu.enqueue_dma source(%dma_start3A_144 : memref<128x64xf32, #tpu.memory_space<vmem>>) target(%dma_start3A_141 : memref<128x64xf32, #tpu.memory_space<hbm>>) target_semaphore(%arg20 : memref<!tpu.dma_semaphore, #tpu.memory_space<semaphore_mem>>)
    %dma_wait3A_145 = arith.constant 0 : i32
    %dma_wait3A_146 = arith.constant 0 : i32
    %dma_wait3A_147 = tpu.memref_slice %arg6[%dma_wait3A_145, %dma_wait3A_146] : memref<128x128xf32, #tpu.memory_space<vmem>> -> memref<128x64xf32, #tpu.memory_space<vmem>>
    %dma_wait3A_148 = arith.constant 0 : i32
    %dma_wait3A_149 = arith.constant 0 : i32
    %dma_wait3A_150 = tpu.memref_slice %arg4[%dma_wait3A_148, %dma_wait3A_149] : memref<819200x128xf32, #tpu.memory_space<hbm>> -> memref<128x64xf32, #tpu.memory_space<hbm>>
    %dma_wait3A_151 = arith.constant 0 : i32
    %dma_wait3A_152 = arith.constant 0 : i32
    %dma_wait3A_153 = tpu.memref_slice %arg4[%dma_wait3A_151, %dma_wait3A_152] : memref<819200x128xf32, #tpu.memory_space<hbm>> -> memref<128x64xf32, #tpu.memory_space<hbm>>
    %dma_wait3A_154 = arith.constant 0 : i32
    %dma_wait3A_155 = arith.constant 0 : i32
    %dma_wait3A_156 = tpu.memref_slice %arg6[%dma_wait3A_154, %dma_wait3A_155] : memref<128x128xf32, #tpu.memory_space<vmem>> -> memref<128x64xf32, #tpu.memory_space<vmem>>
    tpu.wait_dma2 semaphore(%arg16 : memref<!tpu.dma_semaphore, #tpu.memory_space<semaphore_mem>>) src(%dma_wait3A_156 : memref<128x64xf32, #tpu.memory_space<vmem>>) dst(%dma_wait3A_153 : memref<128x64xf32, #tpu.memory_space<hbm>>)
    %dma_wait3A_157 = arith.constant 0 : i32
    %dma_wait3A_158 = arith.constant 0 : i32
    %dma_wait3A_159 = tpu.memref_slice %arg7[%dma_wait3A_157, %dma_wait3A_158] : memref<128x128xf32, #tpu.memory_space<vmem>> -> memref<128x64xf32, #tpu.memory_space<vmem>>
    %dma_wait3A_160 = arith.constant 0 : i32
    %dma_wait3A_161 = arith.constant 0 : i32
    %dma_wait3A_162 = tpu.memref_slice %arg4[%dma_wait3A_160, %dma_wait3A_161] : memref<819200x128xf32, #tpu.memory_space<hbm>> -> memref<128x64xf32, #tpu.memory_space<hbm>>
    %dma_wait3A_163 = arith.constant 0 : i32
    %dma_wait3A_164 = arith.constant 0 : i32
    %dma_wait3A_165 = tpu.memref_slice %arg4[%dma_wait3A_163, %dma_wait3A_164] : memref<819200x128xf32, #tpu.memory_space<hbm>> -> memref<128x64xf32, #tpu.memory_space<hbm>>
    %dma_wait3A_166 = arith.constant 0 : i32
    %dma_wait3A_167 = arith.constant 0 : i32
    %dma_wait3A_168 = tpu.memref_slice %arg7[%dma_wait3A_166, %dma_wait3A_167] : memref<128x128xf32, #tpu.memory_space<vmem>> -> memref<128x64xf32, #tpu.memory_space<vmem>>
    tpu.wait_dma2 semaphore(%arg17 : memref<!tpu.dma_semaphore, #tpu.memory_space<semaphore_mem>>) src(%dma_wait3A_168 : memref<128x64xf32, #tpu.memory_space<vmem>>) dst(%dma_wait3A_165 : memref<128x64xf32, #tpu.memory_space<hbm>>)
    %dma_wait3A_169 = arith.constant 0 : i32
    %dma_wait3A_170 = arith.constant 0 : i32
    %dma_wait3A_171 = tpu.memref_slice %arg8[%dma_wait3A_169, %dma_wait3A_170] : memref<128x128xf32, #tpu.memory_space<vmem>> -> memref<128x64xf32, #tpu.memory_space<vmem>>
    %dma_wait3A_172 = arith.constant 0 : i32
    %dma_wait3A_173 = arith.constant 0 : i32
    %dma_wait3A_174 = tpu.memref_slice %arg4[%dma_wait3A_172, %dma_wait3A_173] : memref<819200x128xf32, #tpu.memory_space<hbm>> -> memref<128x64xf32, #tpu.memory_space<hbm>>
    %dma_wait3A_175 = arith.constant 0 : i32
    %dma_wait3A_176 = arith.constant 0 : i32
    %dma_wait3A_177 = tpu.memref_slice %arg4[%dma_wait3A_175, %dma_wait3A_176] : memref<819200x128xf32, #tpu.memory_space<hbm>> -> memref<128x64xf32, #tpu.memory_space<hbm>>
    %dma_wait3A_178 = arith.constant 0 : i32
    %dma_wait3A_179 = arith.constant 0 : i32
    %dma_wait3A_180 = tpu.memref_slice %arg8[%dma_wait3A_178, %dma_wait3A_179] : memref<128x128xf32, #tpu.memory_space<vmem>> -> memref<128x64xf32, #tpu.memory_space<vmem>>
    tpu.wait_dma2 semaphore(%arg18 : memref<!tpu.dma_semaphore, #tpu.memory_space<semaphore_mem>>) src(%dma_wait3A_180 : memref<128x64xf32, #tpu.memory_space<vmem>>) dst(%dma_wait3A_177 : memref<128x64xf32, #tpu.memory_space<hbm>>)
    %dma_wait3A_181 = arith.constant 0 : i32
    %dma_wait3A_182 = arith.constant 0 : i32
    %dma_wait3A_183 = tpu.memref_slice %arg9[%dma_wait3A_181, %dma_wait3A_182] : memref<128x128xf32, #tpu.memory_space<vmem>> -> memref<128x64xf32, #tpu.memory_space<vmem>>
    %dma_wait3A_184 = arith.constant 0 : i32
    %dma_wait3A_185 = arith.constant 0 : i32
    %dma_wait3A_186 = tpu.memref_slice %arg4[%dma_wait3A_184, %dma_wait3A_185] : memref<819200x128xf32, #tpu.memory_space<hbm>> -> memref<128x64xf32, #tpu.memory_space<hbm>>
    %dma_wait3A_187 = arith.constant 0 : i32
    %dma_wait3A_188 = arith.constant 0 : i32
    %dma_wait3A_189 = tpu.memref_slice %arg4[%dma_wait3A_187, %dma_wait3A_188] : memref<819200x128xf32, #tpu.memory_space<hbm>> -> memref<128x64xf32, #tpu.memory_space<hbm>>
    %dma_wait3A_190 = arith.constant 0 : i32
    %dma_wait3A_191 = arith.constant 0 : i32
    %dma_wait3A_192 = tpu.memref_slice %arg9[%dma_wait3A_190, %dma_wait3A_191] : memref<128x128xf32, #tpu.memory_space<vmem>> -> memref<128x64xf32, #tpu.memory_space<vmem>>
    tpu.wait_dma2 semaphore(%arg19 : memref<!tpu.dma_semaphore, #tpu.memory_space<semaphore_mem>>) src(%dma_wait3A_192 : memref<128x64xf32, #tpu.memory_space<vmem>>) dst(%dma_wait3A_189 : memref<128x64xf32, #tpu.memory_space<hbm>>)
    %dma_wait3A_193 = arith.constant 0 : i32
    %dma_wait3A_194 = arith.constant 0 : i32
    %dma_wait3A_195 = tpu.memref_slice %arg10[%dma_wait3A_193, %dma_wait3A_194] : memref<128x128xf32, #tpu.memory_space<vmem>> -> memref<128x64xf32, #tpu.memory_space<vmem>>
    %dma_wait3A_196 = arith.constant 0 : i32
    %dma_wait3A_197 = arith.constant 0 : i32
    %dma_wait3A_198 = tpu.memref_slice %arg4[%dma_wait3A_196, %dma_wait3A_197] : memref<819200x128xf32, #tpu.memory_space<hbm>> -> memref<128x64xf32, #tpu.memory_space<hbm>>
    %dma_wait3A_199 = arith.constant 0 : i32
    %dma_wait3A_200 = arith.constant 0 : i32
    %dma_wait3A_201 = tpu.memref_slice %arg4[%dma_wait3A_199, %dma_wait3A_200] : memref<819200x128xf32, #tpu.memory_space<hbm>> -> memref<128x64xf32, #tpu.memory_space<hbm>>
    %dma_wait3A_202 = arith.constant 0 : i32
    %dma_wait3A_203 = arith.constant 0 : i32
    %dma_wait3A_204 = tpu.memref_slice %arg10[%dma_wait3A_202, %dma_wait3A_203] : memref<128x128xf32, #tpu.memory_space<vmem>> -> memref<128x64xf32, #tpu.memory_space<vmem>>
    tpu.wait_dma2 semaphore(%arg20 : memref<!tpu.dma_semaphore, #tpu.memory_space<semaphore_mem>>) src(%dma_wait3A_204 : memref<128x64xf32, #tpu.memory_space<vmem>>) dst(%dma_wait3A_201 : memref<128x64xf32, #tpu.memory_space<hbm>>)
    return
  }
}

</mosaic_0001>

<sc_bundles>
// kernel: kernel.3.cloned.1.call-start
scs
__scs_entry_jumppad:
0x0: {  	(pc) =	sbr.rel $0x88, $3  }
0x1: {  	(tag) =	ssettag $0x0;
	lr =	simm.s32 $0x1  }
0x2: {  	[smem:$0x3F9F] =	sst lr;
	_ =	strace $0xD0000000  }
0x3: {  	_ = 	snop  }
0x4: {  	_ = 	snop  }
0x5: {  	_ = 	snop  }
0x6: {  	_ = 	snop  }
0x7: {  	_ = 	snop  }
__scs_overlays_trampoline_lowered:
0x8: {  	[smem:$0x3FAE] =	sst s0  }
0x9: {  	[smem:$0x3FAF] =	sst s1  }
0xa: {  	[smem:$0x3FB0] =	sst s2  }
0xb: {  	[smem:$0x3FB1] =	sst s3  }
0xc: {  	[smem:$0x3FB2] =	sst s4  }
0xd: {  	[smem:$0x3FB3] =	sst s5  }
0xe: {  	[smem:$0x3FB4] =	sst s6  }
0xf: {  	[smem:$0x3FB5] =	sst s7  }
0x10: {  	[smem:$0x3FB6] =	sst s8  }
0x11: {  	[smem:$0x3FB7] =	sst s9;
	s0 =	simm.s32 @!p0 $0x0  }
0x12: {  	s1 =	sld [smem:$0x3F9D];
	s0 =	simm.s32 @p0 $0x1  }
0x13: {  	[smem:$0x3FB8] =	sst s0;
	s0 =	simm.s32 @!p1 $0x0  }
0x14: {  	s2 =	sld [smem:$0x3F9C];
	s0 =	simm.s32 @p1 $0x1  }
0x15: {  	[smem:$0x3FB9] =	sst s0;
	s0 =	simm.s32 @!p2 $0x0  }
0x16: {  	s3 =	sld [smem:$0x3FDB];
	s0 =	simm.s32 @p2 $0x1  }
0x17: {  	s4 =	simm.s32 $0x1BF5;
	[smem:$0x3FBB] =	sst s0  }
0x18: {  	s0 =	sld [smem:$0x3F9E];
	_ =	swait.ge [sflag:s4], $0x0  }
0x19: {  	s7 =	sld [smem:$0x3F9F]  }
0x1a: {  	s8 =	sadd.s32 $0xFFFFE003, lr  }
0x1b: {  	s9 =	sadd.s32 $0xFFFFFEF7, lr;
	s5 =	simm.s32 $0xFFFFFFFF;
	p2 =	slt.u32 s8, $0xFFFFF086  }
0x1c: {  	p1 =	slt.u32 s9, $0xF7A;
	s5 =	simm.s32 @!p2 $0x0  }
0x1d: {  	s5 =	simm.s32 @p1 $0x1;
	p0 =	seq.s32 s7, s2  }
0x1e: {  	s7 =	smul.u32 @!p0 $0xF7A, s2;
	p2 =	seq.s32 @!p0 s5, $0x0  }
0x1f: {  	s9 =	smul.u32 $0xF7A, s1;
	s8 =	simm.s32 @!p0 $0x1BF5;
	p2 =	por !p2, p0  }
0x20: {  	[sflag:s8] =	ssyncset.s32 @!p0 $0xFFFFF086;
	s6 =	sadd.s32 @!p0 s3, s7;
	s7 =	simm.s32 @!p0 $0x108  }
0x21: {  	s3 =	sadd.s32 s3, s9;
	s6 =	sadd.s32 @!p0 $0x88, s6;
	s7 =	simm.s32 @p2 $0x1082  }
0x22: {  	[simem:s7], [sflag:s8] =	dma.local @!p0 [hbm:s6], $0xF7A  }
0x23: {  	s9 =	sor.u32 $0xD0000000, s2;
	s6 =	simm.s32 $0x108;
	_ =	swait.ge @!p0 [sflag:s8], $0x0  }
0x24: {  	s3 =	sadd.s32 $0x88, s3;
	s6 =	simm.s32 @!p1 $0x1082;
	[sflag:s4] =	ssyncset.s32 $0xFFFFF086  }
0x25: {  	[simem:s6], [sflag:s4] =	dma.local [hbm:s3], $0xF7A  }
0x26: {  	[smem:$0x3F9F] =	sst s1;
	(tag) =	ssettag s2;
	_ =	strace s9  }
0x27: {  	s1 =	sld [smem:$0x3FAF]  }
0x28: {  	s2 =	sld [smem:$0x3FB0]  }
0x29: {  	s4 =	sld [smem:$0x3FB2]  }
0x2a: {  	p0 =	seq.s32 s5, $0x0;
	s5 =	sld [smem:$0x3FB3]  }
0x2b: {  	s6 =	sld [smem:$0x3FB4]  }
0x2c: {  	s7 =	sld [smem:$0x3FB5]  }
0x2d: {  	s3 =	simm.s32 $0x108;
	s8 =	sld [smem:$0x3FB6]  }
0x2e: {  	s3 =	simm.s32 @!p0 $0x1082;
	s9 =	sld [smem:$0x3FB7]  }
0x2f: {  	lr =	sadd.s32 s0, s3;
	s0 =	sld [smem:$0x3FAE]  }
0x30: {  	s3 =	sld [smem:$0x3FB1]  }
0x31: {  	[smem:$0x3FBA] =	sst s10  }
0x32: {  	s10 =	sld [smem:$0x3FB8];
	_ =	sdelay $0x3  }
0x33: {  	p0 =	seq.s32 s10, $0x1;
	s10 =	sld [smem:$0x3FBA];
	_ =	sdelay $0x3  }
0x34: {  	[smem:$0x3FBA] =	sst s10  }
0x35: {  	s10 =	sld [smem:$0x3FB9];
	_ =	sdelay $0x3  }
0x36: {  	p1 =	seq.s32 s10, $0x1;
	s10 =	sld [smem:$0x3FBA];
	_ =	sdelay $0x3  }
0x37: {  	[smem:$0x3FBA] =	sst s10  }
0x38: {  	s10 =	sld [smem:$0x3FBB]  }
0x39: {  	_ = 	snop;
	(pc) =	sbr.ind lr, $3  }
0x3a: {  	_ = 	snop  }
0x3b: {  	_ = 	snop  }
0x3c: {  	p2 =	seq.s32 s10, $0x1;
	s10 =	sld [smem:$0x3FBA]  }
0x3d: {  	_ =	shalt  }
0x3e: {  	_ =	shalt  }
0x3f: {  	_ =	shalt  }
0x40: {  	_ =	shalt  }
0x41: {  	_ =	shalt  }
0x42: {  	_ =	shalt  }
0x43: {  	_ =	shalt  }
0x44: {  	_ =	shalt  }
0x45: {  	_ =	shalt  }
0x46: {  	_ =	shalt  }
0x47: {  	_ =	shalt  }
0x48: {  	_ =	shalt  }
0x49: {  	_ =	shalt  }
0x4a: {  	_ =	shalt  }
0x4b: {  	_ =	shalt  }
0x4c: {  	_ =	shalt  }
0x4d: {  	_ =	shalt  }
0x4e: {  	_ =	shalt  }
0x4f: {  	_ =	shalt  }
0x50: {  	_ =	shalt  }
0x51: {  	_ =	shalt  }
0x52: {  	_ =	shalt  }
0x53: {  	_ =	shalt  }
0x54: {  	_ =	shalt  }
0x55: {  	_ =	shalt  }
0x56: {  	_ =	shalt  }
0x57: {  	_ =	shalt  }
0x58: {  	_ =	shalt  }
0x59: {  	_ =	shalt  }
0x5a: {  	_ =	shalt  }
0x5b: {  	_ =	shalt  }
0x5c: {  	_ =	shalt  }
0x5d: {  	_ =	shalt  }
0x5e: {  	_ =	shalt  }
0x5f: {  	_ =	shalt  }
0x60: {  	_ =	shalt  }
0x61: {  	_ =	shalt  }
0x62: {  	_ =	shalt  }
0x63: {  	_ =	shalt  }
0x64: {  	_ =	shalt  }
0x65: {  	_ =	shalt  }
0x66: {  	_ =	shalt  }
0x67: {  	_ =	shalt  }
0x68: {  	_ =	shalt  }
0x69: {  	_ =	shalt  }
0x6a: {  	_ =	shalt  }
0x6b: {  	_ =	shalt  }
0x6c: {  	_ =	shalt  }
0x6d: {  	_ =	shalt  }
0x6e: {  	_ =	shalt  }
0x6f: {  	_ =	shalt  }
0x70: {  	_ =	shalt  }
0x71: {  	_ =	shalt  }
0x72: {  	_ =	shalt  }
0x73: {  	_ =	shalt  }
0x74: {  	_ =	shalt  }
0x75: {  	_ =	shalt  }
0x76: {  	_ =	shalt  }
0x77: {  	_ =	shalt  }
0x78: {  	_ =	shalt  }
0x79: {  	_ =	shalt  }
0x7a: {  	_ =	shalt  }
0x7b: {  	_ =	shalt  }
0x7c: {  	_ =	shalt  }
0x7d: {  	_ =	shalt  }
0x7e: {  	_ =	shalt  }
0x7f: {  	_ =	shalt  }
0x80: {  	_ =	shalt  }
0x81: {  	_ =	shalt  }
0x82: {  	_ =	shalt  }
0x83: {  	_ =	shalt  }
0x84: {  	_ =	shalt  }
0x85: {  	_ =	shalt  }
0x86: {  	_ =	shalt  }
0x87: {  	_ =	shalt  }
.Lfunc_end0:
.L_simem_size_0:
called_computation.1_lowered:
.L_overlay_start_0:
0x88: {  	s2 =	sld [smem:$0x3FD9]  }
0x89: {  	s3 =	sld [smem:$0x3FFE];
	_ =	sdelay $0x1  }
0x8a: {  	s1 =	srdreg.scid  }
0x8b: {  	s0 =	sand.u32 $0x1, s1  }
0x8c: {  	s17 =	sshll.u32 s0, $0xA;
	s2 =	sadd.s32 s3, s2  }
0x8d: {  	s2 =	sadd.s32 s2, s17  }
0x8e: {  	[smem:$0x3FC6] =	sst s2  }
0x8f: {  	_ = 	snop  }
0x90: {  	s2 =	sld [smem:$0x3FD0];
	(tm) =	ssettm $0x1  }
0x91: {  	s18 =	sld [smem:$0x3FFB];
	_ =	sdelay $0x3  }
0x92: {  	_ =	strace s18  }
0x93: {  	s3 =	sld [smem:$0x3FFC];
	_ =	sdelay $0x3  }
0x94: {  	_ =	strace s3  }
0x95: {  	s3 =	sld [smem:$0x3FFD];
	_ =	sdelay $0x3  }
0x96: {  	_ =	strace s3  }
0x97: {  	_ =	strace $0x8FFFFFFF  }
0x98: {  	s19 =	sld [smem:$0x3FDB];
	_ =	sdelay $0x1  }
0x99: {  	s4 =	simm.s32 $_scs_section_size  }
0x9a: {  	s5 =	simm.s32 $_size__tile_overlayer_lowered;
	s6 =	simm.s32 $_tile_overlayer_lowered  }
0x9b: {  	s22 =	simm.s32 $0x1BFF;
	s21 =	sshll.u32 s6, $0x1;
	s3 =	sadd.s32 s4, s19  }
0x9c: {  	s7 =	simm.s32 $0x0;
	s20 =	sshll.u32 s5, $0x1;
	s5 =	sadd.s32 s21, s3  }
0x9d: {  	[timem:s7], [sflag:s22] =	dma.local [hbm:s5], s20  }
0x9e: {  	_ =	swait.ge [sflag:s22], s20  }
0x9f: {  	s4 =	ssub.s32 $0x0, s20;
	[sflag:s22] =	ssyncset.done $0x0  }
0xa0: {  	[sflag:s22] =	ssyncadd.s32 s4;
	_ =	sdelay $0x1  }
0xa1: {  	s23 =	simm.s32 $0x1B8B  }
0xa2: {  	_ =	swait.ge [sflag:s23], $0x1  }
0xa3: {  	[sflag:s23] =	ssyncset.done $0x0  }
0xa4: {  	s25 =	simm.s32 $0x1B8E;
	s24 =	sld [smem:$0x3FFE];
	[sflag:s23] =	ssyncadd.s32 $0xFFFFFFFF  }
0xa5: {  	s26 =	simm.s32 $execute0_lowered;
	[smem:$0x3FD2] =	sst s25  }
0xa6: {  	s5 =	sshll.u32 s26, $0x1;
	_ =	strace $0x80000046;
	[dreg:$0x1] =	wrdreg $0xFFFFFFFF  }
0xa7: {  	s28 =	simm.s32 $_size_execute0_lowered;
	s3 =	sadd.s32 s3, s5;
	[dreg:$0x0] =	wrdreg $0x0  }
0xa8: {  	s5 =	sshll.u32 s28, $0x1;
	[dreg:$0x2] =	wrdreg s3  }
0xa9: {  	[dreg:$0x3] =	wrdreg s5  }
0xaa: {  	[dreg:$0x4] =	wrdreg $0xC0  }
0xab: {  	_ =	task [dreg:s7], $0x5FFFF  }
0xac: {  	[dreg:$0x1] =	wrdreg $0xFFFFFFFF  }
0xad: {  	[dreg:$0x0] =	wrdreg $0x60  }
0xae: {  	[dreg:$0x2] =	wrdreg s2  }
0xaf: {  	[dreg:$0x3] =	wrdreg s24  }
0xb0: {  	[dreg:$0x4] =	wrdreg $0x9  }
0xb1: {  	_ =	task.clear_ibuf [dreg:s7], $0x5FFFF;
	_ =	strace $0x90000046  }
0xb2: {  	s29 =	simm.s32 $0x9;
	_ =	strace $0x80000048  }
0xb3: {  	_ =	swait.ge [sflag:s29], $0x1  }
0xb4: {  	[sflag:s29] =	ssyncadd.s32 $0xFFFFFFFF  }
0xb5: {  	_ =	strace $0x90000048  }
0xb6: {  	_ =	sfence  }
0xb7: {  	s30 =	sld [smem:$0x0];
	_ =	sdelay $0x2  }
0xb8: {  	s31 =	sshll.u32 s1, $0xD;
	s1 =	sshrl.u32 s1, $0x2  }
0xb9: {  	s3 =	sand.u32 $0x4000, s31;
	s1 =	sadd.s32 s1, s30  }
0xba: {  	s0 =	sor.u32 s3, s0;
	s1 =	sshll.u32 s1, $0x11  }
0xbb: {  	s0 =	sor.u32 s1, s0  }
0xbc: {  	s0 =	sadd.s32 $0x8F2B, s0  }
0xbd: {  	[sflag:s0] =	ssyncadd.remote.s32 $0x1  }
0xbe: {  	_ =	sfence.sel $0xFFFF  }
0xbf: {  	[dreg:$0x0] =	wrdreg $0xFFFFFFFF;
	(pc) =	sbr.abs _section_cstart, $3  }
0xc0: {  	[dreg:$0x1] =	wrdreg $0xFFFFFFFF  }
0xc1: {  	_ =	task.clear_ibuf [dreg:s7], $0x2FFFF;
	_ =	strace $0x9FFFFFFF  }
0xc2: {  	(tm) =	ssettm $0x7FFFFFFF  }
0xc3: {  	_ =	shalt  }
tec
execute0_lowered:
.L_overlay_start_1:
0x0: {  	(tag) =	ssettag $0x1  }
0x1: {  	s0 =	rddreg [dreg:$0x0];
	s1 =	srdreg.scid  }
0x2: {  	s2 =	stileid.u32;
	s3 =	rddreg [dreg:$0x1];
	s18 =	simm.s32 $0x80  }
0x3: {  	s28 =	simm.s32 $0x1;
	s29 =	simm.s32 $0x6;
	s30 =	simm.s32 $0x2  }
0x4: {  	s31 =	simm.s32 $0x7;
	s21 =	simm.s32 $0x4;
	s23 =	simm.s32 $0x9  }
0x5: {  	s1 =	sand.u32 $0x1, s1;
	s4 =	sshll.u32 s2, $0x1;
	s2 =	simm.s32 $0x0  }
0x6: {  	s16 =	simm.s32 $0x0;
	s5 =	sor.u32 s1, s4;
	[smem:$0x7FF] =	sst s2  }
0x7: {  	s1 =	ssub.s32 $0x2, s1;
	s4 =	sadd.s32 $0xF42E00, s3;
	s10 =	smul.u32 $0x6400, s5  }
0x8: {  	_ =	strace $0x80000047;
	s6 =	smul.u32 $0xC80, s5;
	s7 =	sshrl.u32 s1, $0x1  }
0x9: {  	s9 =	smul.u32 $0x320000, s5;
	s5 =	sadd.s32 $0xA00, s3;
	s1 =	ssub.s32 s1, s7  }
0xa: {  	s0 =	sadd.s32 s0, s6;
	s24 =	sor.u32 $0x80, s10;
	s8 =	sor.u32 $0x100, s10  }
0xb: {  	s25 =	sshrl.u32 s9, $0x3;
	s9 =	sor.u32 $0x180, s10;
	s7 =	smov.u32 s10  }
0xc: {  	s10 =	sor.u32 $0x200, s10;
	s26 =	smax.u32 s1, $0x1;
	[dreg:$0x3] =	wrdreg s0  }
0xd: {  	s1 =	simm.s32 $0x3;
	s6 =	simm.s32 $0xA;
	[dreg:$0x4] =	wrdreg s24  }
0xe: {  	s0 =	sadd.s32 s5, s25;
	[dreg:$0x5] =	wrdreg s26;
	s25 =	simm.s32 $0x5  }
0xf: {  	s11 =	sadd.s32 $0x61800, s0;
	s12 =	sadd.s32 $0x62000, s0;
	s13 =	sadd.s32 $0x62800, s0  }
0x10: {  	s14 =	sadd.s32 $0x63000, s0;
	s15 =	sadd.s32 $0x63800, s0;
	s0 =	simm.s32 $0x8  }
.LBB2_1:
0x11: {  	[dreg:$0x6] =	wrdreg s16  }
0x12: {  	s3 =	rddreg [dreg:$0x3];
	s24 =	simm.s32 $0xB  }
0x13: {  	[tilespmem:s2], [sflag:$0xB] =	stream.linear.gather [hbm4b:s3+s2], $0x6400, $0x38;
	[tilespmem:$0x1A400] =	vst v63  }
0x14: {  	_ =	swait.ge [sflag:s24], $0x6400  }
0x15: {  	[sflag:s24] =	ssyncset.done $0x0  }
0x16: {  	s26 =	simm.s32 $0x6400;
	[sflag:s24] =	ssyncadd.s32 $0xFFFF9C00  }
0x17: {  	[tilespmem:s26], [sflag:$0x1] =	stream.indirect.gather [hbm4b:s4+s18], $0x80, s2, s18, $0xb8;
	[tilespmem:$0x1A400] =	vst v63  }
0x18: {  	s16 =	simm.s32 $0xA400  }
0x19: {  	[tilespmem:s16], [sflag:$0x2] =	stream.indirect.gather [hbm4b:s4+s18], $0x80, s18, s18, $0xb8;
	[tilespmem:$0x1A400] =	vst v63  }
0x1a: {  	s17 =	simm.s32 $0x100;
	s19 =	simm.s32 $0xE400  }
0x1b: {  	[tilespmem:s19], [sflag:$0x3] =	stream.indirect.gather [hbm4b:s4+s18], $0x80, s17, s18, $0xb8;
	[tilespmem:$0x1A400] =	vst v63  }
0x1c: {  	s20 =	simm.s32 $0x180;
	s22 =	simm.s32 $0x12400  }
0x1d: {  	[tilespmem:s22], [sflag:$0x4] =	stream.indirect.gather [hbm4b:s4+s18], $0x80, s20, s18, $0xb8;
	[tilespmem:$0x1A400] =	vst v63  }
0x1e: {  	s24 =	simm.s32 $0x200;
	s26 =	simm.s32 $0x16400;
	s17 =	simm.s32 $0x0  }
0x1f: {  	[tilespmem:s26], [sflag:$0x5] =	stream.indirect.gather [hbm4b:s4+s18], $0x80, s24, s18, $0xb8;
	[tilespmem:$0x1A400] =	vst v63  }
.LBB2_2:
0x20: {  	s16 =	smul.u32 $0x280, s17;
	_ =	sdelay $0x1  }
0x21: {  	s3 =	sadd.s32 s7, s16  }
0x22: {  	_ =	swait.ge [sflag:s28], $0x4000;
	s20 =	simm.s32 $0x6400;
	s3 =	sshll.u32 s3, $0x4  }
0x23: {  	s22 =	simm.s32 $0x10;
	[sflag:s28] =	ssyncset.done $0x0;
	s19 =	sadd.s32 s5, s3  }
0x24: {  	s24 =	simm.s32 $0x6480;
	[sflag:s28] =	ssyncadd.s32 $0xFFFFC000;
	s26 =	sadd.s32 $0x0, s19  }
.LBB2_3:
0x25: {  	[hbm4b:s26+s2] =	stream.linear.scatter [tilespmem:s20], [sflag:$0x6], $0x40, $0x38;
	[tilespmem:$0x1A400] =	vst v63  }
0x26: {  	s3 =	smov.u32 s22;
	s20 =	smov.u32 s24;
	p0 =	sne.s32 s22, $0x7F0  }
.Ltmp0:
0x27: {  	s22 =	sadd.s32 $0x10, s22;
	(pc) =	sbr.rel @p0 .LBB2_3-.Ltmp0, $2  }
0x28: {  	_ =	sdelay $0x2  }
0x29: {  	s24 =	sadd.s32 $0x80, s24;
	s26 =	sadd.s32 s3, s19  }
0x2a: {  	[hbm4b:s26+s2] =	stream.linear.scatter [tilespmem:s20], [sflag:$0x6], $0x40, $0x38;
	[tilespmem:$0x1A400] =	vst v63  }
0x2b: {  	s3 =	smul.u32 $0xA00, s17  }
0x2c: {  	_ =	swait.ge [sflag:s29], $0x2000  }
0x2d: {  	s24 =	simm.s32 $0x6400;
	[sflag:s29] =	ssyncset.done $0x0;
	s19 =	sshra.s32 s3, $0x2  }
0x2e: {  	s26 =	rddreg [dreg:$0x4];
	[sflag:s29] =	ssyncadd.s32 $0xFFFFE000;
	s3 =	sadd.s32 $0x280, s19  }
0x2f: {  	[tilespmem:s24], [sflag:$0x1] =	stream.indirect.gather [hbm4b:s4+s18], $0x80, s3, s18, $0xb8;
	[tilespmem:$0x1A400] =	vst v63  }
0x30: {  	s3 =	sadd.s32 s16, s26  }
0x31: {  	s3 =	sshll.u32 s3, $0x4  }
0x32: {  	s22 =	simm.s32 $0xA400;
	_ =	swait.ge [sflag:s30], $0x4000;
	s3 =	sand.u32 $0x1FFFF800, s3  }
0x33: {  	s24 =	simm.s32 $0x10;
	[sflag:s30] =	ssyncset.done $0x0;
	s20 =	sadd.s32 s5, s3  }
0x34: {  	s26 =	simm.s32 $0xA480;
	[sflag:s30] =	ssyncadd.s32 $0xFFFFC000;
	s3 =	sadd.s32 $0x0, s20  }
.LBB2_5:
0x35: {  	[hbm4b:s3+s2] =	stream.linear.scatter [tilespmem:s22], [sflag:$0x7], $0x40, $0x38;
	[tilespmem:$0x1A400] =	vst v63  }
0x36: {  	s3 =	smov.u32 s24;
	s22 =	smov.u32 s26;
	p0 =	sne.s32 s24, $0x7F0  }
.Ltmp1:
0x37: {  	s24 =	sadd.s32 $0x10, s24;
	(pc) =	sbr.rel @p0 .LBB2_5-.Ltmp1, $2  }
0x38: {  	_ =	sdelay $0x2  }
0x39: {  	s26 =	sadd.s32 $0x80, s26;
	s3 =	sadd.s32 s3, s20  }
0x3a: {  	[hbm4b:s3+s2] =	stream.linear.scatter [tilespmem:s22], [sflag:$0x7], $0x40, $0x38;
	[tilespmem:$0x1A400] =	vst v63  }
0x3b: {  	_ =	swait.ge [sflag:s31], $0x2000  }
0x3c: {  	s24 =	sadd.s32 $0x300, s19;
	s26 =	sadd.s32 s16, s8;
	[sflag:s31] =	ssyncset.done $0x0  }
0x3d: {  	s20 =	simm.s32 $0xA400;
	s3 =	sshll.u32 s26, $0x4;
	[sflag:s31] =	ssyncadd.s32 $0xFFFFE000  }
0x3e: {  	[tilespmem:s20], [sflag:$0x2] =	stream.indirect.gather [hbm4b:s4+s18], $0x80, s24, s18, $0xb8;
	[tilespmem:$0x1A400] =	vst v63  }
0x3f: {  	s22 =	simm.s32 $0xE400;
	s3 =	sand.u32 $0x1FFFF800, s3;
	_ =	swait.ge [sflag:s1], $0x4000  }
0x40: {  	s26 =	simm.s32 $0xE480;
	s20 =	sadd.s32 s5, s3;
	[sflag:s1] =	ssyncset.done $0x0  }
0x41: {  	s24 =	simm.s32 $0x10;
	s3 =	sadd.s32 $0x0, s20;
	[sflag:s1] =	ssyncadd.s32 $0xFFFFC000  }
.LBB2_7:
0x42: {  	[hbm4b:s3+s2] =	stream.linear.scatter [tilespmem:s22], [sflag:$0x8], $0x40, $0x38;
	[tilespmem:$0x1A400] =	vst v63  }
0x43: {  	s3 =	smov.u32 s24;
	s22 =	smov.u32 s26;
	p0 =	sne.s32 s24, $0x7F0  }
.Ltmp2:
0x44: {  	s24 =	sadd.s32 $0x10, s24;
	(pc) =	sbr.rel @p0 .LBB2_7-.Ltmp2, $2  }
0x45: {  	_ =	sdelay $0x2  }
0x46: {  	s26 =	sadd.s32 $0x80, s26;
	s3 =	sadd.s32 s3, s20  }
0x47: {  	[hbm4b:s3+s2] =	stream.linear.scatter [tilespmem:s22], [sflag:$0x8], $0x40, $0x38;
	[tilespmem:$0x1A400] =	vst v63  }
0x48: {  	_ =	swait.ge [sflag:s0], $0x2000  }
0x49: {  	s24 =	sadd.s32 $0x380, s19;
	s26 =	sadd.s32 s16, s9;
	[sflag:s0] =	ssyncset.done $0x0  }
0x4a: {  	s20 =	simm.s32 $0xE400;
	s3 =	sshll.u32 s26, $0x4;
	[sflag:s0] =	ssyncadd.s32 $0xFFFFE000  }
0x4b: {  	[tilespmem:s20], [sflag:$0x3] =	stream.indirect.gather [hbm4b:s4+s18], $0x80, s24, s18, $0xb8;
	[tilespmem:$0x1A400] =	vst v63  }
0x4c: {  	s22 =	simm.s32 $0x12400;
	s3 =	sand.u32 $0x1FFFF800, s3;
	_ =	swait.ge [sflag:s21], $0x4000  }
0x4d: {  	s26 =	simm.s32 $0x12480;
	s20 =	sadd.s32 s5, s3;
	[sflag:s21] =	ssyncset.done $0x0  }
0x4e: {  	s24 =	simm.s32 $0x10;
	s3 =	sadd.s32 $0x0, s20;
	[sflag:s21] =	ssyncadd.s32 $0xFFFFC000  }
.LBB2_9:
0x4f: {  	[hbm4b:s3+s2] =	stream.linear.scatter [tilespmem:s22], [sflag:$0x9], $0x40, $0x38;
	[tilespmem:$0x1A400] =	vst v63  }
0x50: {  	s3 =	smov.u32 s24;
	s22 =	smov.u32 s26;
	p0 =	sne.s32 s24, $0x7F0  }
.Ltmp3:
0x51: {  	s24 =	sadd.s32 $0x10, s24;
	(pc) =	sbr.rel @p0 .LBB2_9-.Ltmp3, $2  }
0x52: {  	_ =	sdelay $0x2  }
0x53: {  	s26 =	sadd.s32 $0x80, s26;
	s3 =	sadd.s32 s3, s20  }
0x54: {  	[hbm4b:s3+s2] =	stream.linear.scatter [tilespmem:s22], [sflag:$0x9], $0x40, $0x38;
	[tilespmem:$0x1A400] =	vst v63  }
0x55: {  	_ =	swait.ge [sflag:s23], $0x2000  }
0x56: {  	s24 =	sadd.s32 $0x400, s19;
	s26 =	sadd.s32 s16, s10;
	[sflag:s23] =	ssyncset.done $0x0  }
0x57: {  	s20 =	simm.s32 $0x12400;
	s3 =	sshll.u32 s26, $0x4;
	[sflag:s23] =	ssyncadd.s32 $0xFFFFE000  }
0x58: {  	[tilespmem:s20], [sflag:$0x4] =	stream.indirect.gather [hbm4b:s4+s18], $0x80, s24, s18, $0xb8;
	[tilespmem:$0x1A400] =	vst v63  }
0x59: {  	s22 =	simm.s32 $0x10;
	s3 =	sand.u32 $0x1FFFF800, s3;
	_ =	swait.ge [sflag:s25], $0x4000  }
0x5a: {  	s16 =	sadd.s32 s5, s3;
	s20 =	simm.s32 $0x16400;
	[sflag:s25] =	ssyncset.done $0x0  }
0x5b: {  	s3 =	sadd.s32 $0x0, s16;
	s24 =	simm.s32 $0x16480;
	[sflag:s25] =	ssyncadd.s32 $0xFFFFC000  }
.LBB2_11:
0x5c: {  	[hbm4b:s3+s2] =	stream.linear.scatter [tilespmem:s20], [sflag:$0xA], $0x40, $0x38;
	[tilespmem:$0x1A400] =	vst v63  }
0x5d: {  	s3 =	smov.u32 s22;
	s20 =	smov.u32 s24;
	p0 =	sne.s32 s22, $0x7F0  }
.Ltmp4:
0x5e: {  	s22 =	sadd.s32 $0x10, s22;
	(pc) =	sbr.rel @p0 .LBB2_11-.Ltmp4, $2  }
0x5f: {  	_ =	sdelay $0x2  }
0x60: {  	s24 =	sadd.s32 $0x80, s24;
	s3 =	sadd.s32 s3, s16  }
0x61: {  	[hbm4b:s3+s2] =	stream.linear.scatter [tilespmem:s20], [sflag:$0xA], $0x40, $0x38;
	[tilespmem:$0x1A400] =	vst v63  }
0x62: {  	s17 =	sadd.s32 $0x1, s17  }
0x63: {  	p0 =	sne.s32 s17, $0x27  }
.Ltmp5:
0x64: {  	_ = 	snop;
	(pc) =	sbr.rel @p0 .LBB2_2-.Ltmp5, $4  }
0x65: {  	_ =	swait.ge [sflag:s6], $0x2000  }
0x66: {  	[sflag:s6] =	ssyncset.done $0x0  }
0x67: {  	s26 =	sadd.s32 $0x480, s19;
	s16 =	simm.s32 $0x16400;
	[sflag:s6] =	ssyncadd.s32 $0xFFFFE000  }
0x68: {  	[tilespmem:s16], [sflag:$0x5] =	stream.indirect.gather [hbm4b:s4+s18], $0x80, s26, s18, $0xb8;
	[tilespmem:$0x1A400] =	vst v63  }
0x69: {  	_ =	swait.ge [sflag:s28], $0x4000  }
0x6a: {  	s16 =	simm.s32 $0x6400;
	s17 =	simm.s32 $0x10;
	[sflag:s28] =	ssyncset.done $0x0  }
0x6b: {  	s3 =	sadd.s32 $0x0, s11;
	s19 =	simm.s32 $0x6480;
	[sflag:s28] =	ssyncadd.s32 $0xFFFFC000  }
.LBB2_14:
0x6c: {  	[hbm4b:s3+s2] =	stream.linear.scatter [tilespmem:s16], [sflag:$0x6], $0x40, $0x38;
	[tilespmem:$0x1A400] =	vst v63  }
0x6d: {  	s3 =	smov.u32 s17;
	s16 =	smov.u32 s19;
	p0 =	sne.s32 s17, $0x7F0  }
.Ltmp6:
0x6e: {  	s17 =	sadd.s32 $0x10, s17;
	(pc) =	sbr.rel @p0 .LBB2_14-.Ltmp6, $2  }
0x6f: {  	_ =	sdelay $0x2  }
0x70: {  	s19 =	sadd.s32 $0x80, s19;
	s3 =	sadd.s32 s3, s11  }
0x71: {  	[hbm4b:s3+s2] =	stream.linear.scatter [tilespmem:s16], [sflag:$0x6], $0x40, $0x38;
	[tilespmem:$0x1A400] =	vst v63  }
0x72: {  	_ =	swait.ge [sflag:s30], $0x4000  }
0x73: {  	s16 =	simm.s32 $0xA400;
	s17 =	simm.s32 $0x10;
	[sflag:s30] =	ssyncset.done $0x0  }
0x74: {  	s3 =	sadd.s32 $0x0, s12;
	s19 =	simm.s32 $0xA480;
	[sflag:s30] =	ssyncadd.s32 $0xFFFFC000  }
.LBB2_16:
0x75: {  	[hbm4b:s3+s2] =	stream.linear.scatter [tilespmem:s16], [sflag:$0x7], $0x40, $0x38;
	[tilespmem:$0x1A400] =	vst v63  }
0x76: {  	s3 =	smov.u32 s17;
	s16 =	smov.u32 s19;
	p0 =	sne.s32 s17, $0x7F0  }
.Ltmp7:
0x77: {  	s17 =	sadd.s32 $0x10, s17;
	(pc) =	sbr.rel @p0 .LBB2_16-.Ltmp7, $2  }
0x78: {  	_ =	sdelay $0x2  }
0x79: {  	s19 =	sadd.s32 $0x80, s19;
	s3 =	sadd.s32 s3, s12  }
0x7a: {  	[hbm4b:s3+s2] =	stream.linear.scatter [tilespmem:s16], [sflag:$0x7], $0x40, $0x38;
	[tilespmem:$0x1A400] =	vst v63  }
0x7b: {  	_ =	swait.ge [sflag:s1], $0x4000  }
0x7c: {  	s16 =	simm.s32 $0xE400;
	s17 =	simm.s32 $0x10;
	[sflag:s1] =	ssyncset.done $0x0  }
0x7d: {  	s3 =	sadd.s32 $0x0, s13;
	s19 =	simm.s32 $0xE480;
	[sflag:s1] =	ssyncadd.s32 $0xFFFFC000  }
.LBB2_18:
0x7e: {  	[hbm4b:s3+s2] =	stream.linear.scatter [tilespmem:s16], [sflag:$0x8], $0x40, $0x38;
	[tilespmem:$0x1A400] =	vst v63  }
0x7f: {  	s3 =	smov.u32 s17;
	s16 =	smov.u32 s19;
	p0 =	sne.s32 s17, $0x7F0  }
.Ltmp8:
0x80: {  	s17 =	sadd.s32 $0x10, s17;
	(pc) =	sbr.rel @p0 .LBB2_18-.Ltmp8, $2  }
0x81: {  	_ =	sdelay $0x2  }
0x82: {  	s19 =	sadd.s32 $0x80, s19;
	s3 =	sadd.s32 s3, s13  }
0x83: {  	[hbm4b:s3+s2] =	stream.linear.scatter [tilespmem:s16], [sflag:$0x8], $0x40, $0x38;
	[tilespmem:$0x1A400] =	vst v63  }
0x84: {  	_ =	swait.ge [sflag:s21], $0x4000  }
0x85: {  	s16 =	simm.s32 $0x12400;
	s17 =	simm.s32 $0x10;
	[sflag:s21] =	ssyncset.done $0x0  }
0x86: {  	s3 =	sadd.s32 $0x0, s14;
	s19 =	simm.s32 $0x12480;
	[sflag:s21] =	ssyncadd.s32 $0xFFFFC000  }
.LBB2_20:
0x87: {  	[hbm4b:s3+s2] =	stream.linear.scatter [tilespmem:s16], [sflag:$0x9], $0x40, $0x38;
	[tilespmem:$0x1A400] =	vst v63  }
0x88: {  	s3 =	smov.u32 s17;
	s16 =	smov.u32 s19;
	p0 =	sne.s32 s17, $0x7F0  }
.Ltmp9:
0x89: {  	s17 =	sadd.s32 $0x10, s17;
	(pc) =	sbr.rel @p0 .LBB2_20-.Ltmp9, $2  }
0x8a: {  	_ =	sdelay $0x2  }
0x8b: {  	s19 =	sadd.s32 $0x80, s19;
	s3 =	sadd.s32 s3, s14  }
0x8c: {  	[hbm4b:s3+s2] =	stream.linear.scatter [tilespmem:s16], [sflag:$0x9], $0x40, $0x38;
	[tilespmem:$0x1A400] =	vst v63  }
0x8d: {  	_ =	swait.ge [sflag:s25], $0x4000  }
0x8e: {  	s16 =	simm.s32 $0x16400;
	s17 =	simm.s32 $0x10;
	[sflag:s25] =	ssyncset.done $0x0  }
0x8f: {  	s3 =	sadd.s32 $0x0, s15;
	s19 =	simm.s32 $0x16480;
	[sflag:s25] =	ssyncadd.s32 $0xFFFFC000  }
.LBB2_22:
0x90: {  	[hbm4b:s3+s2] =	stream.linear.scatter [tilespmem:s16], [sflag:$0xA], $0x40, $0x38;
	[tilespmem:$0x1A400] =	vst v63  }
0x91: {  	s3 =	smov.u32 s17;
	s16 =	smov.u32 s19;
	p0 =	sne.s32 s17, $0x7F0  }
.Ltmp10:
0x92: {  	s17 =	sadd.s32 $0x10, s17;
	(pc) =	sbr.rel @p0 .LBB2_22-.Ltmp10, $2  }
0x93: {  	_ =	sdelay $0x2  }
0x94: {  	s19 =	sadd.s32 $0x80, s19;
	s3 =	sadd.s32 s3, s15  }
0x95: {  	[hbm4b:s3+s2] =	stream.linear.scatter [tilespmem:s16], [sflag:$0xA], $0x40, $0x38;
	[tilespmem:$0x1A400] =	vst v63  }
0x96: {  	_ =	swait.ge [sflag:s29], $0x2000  }
0x97: {  	[sflag:s29] =	ssyncset.done $0x0  }
0x98: {  	[sflag:s29] =	ssyncadd.s32 $0xFFFFE000  }
0x99: {  	_ =	swait.ge [sflag:s31], $0x2000  }
0x9a: {  	[sflag:s31] =	ssyncset.done $0x0  }
0x9b: {  	[sflag:s31] =	ssyncadd.s32 $0xFFFFE000  }
0x9c: {  	_ =	swait.ge [sflag:s0], $0x2000  }
0x9d: {  	[sflag:s0] =	ssyncset.done $0x0  }
0x9e: {  	[sflag:s0] =	ssyncadd.s32 $0xFFFFE000  }
0x9f: {  	_ =	swait.ge [sflag:s23], $0x2000  }
0xa0: {  	[sflag:s23] =	ssyncset.done $0x0  }
0xa1: {  	[sflag:s23] =	ssyncadd.s32 $0xFFFFE000  }
0xa2: {  	_ =	swait.ge [sflag:s6], $0x2000  }
0xa3: {  	s24 =	rddreg [dreg:$0x6]  }
0xa4: {  	s26 =	rddreg [dreg:$0x5];
	s16 =	sadd.s32 $0x1, s24  }
0xa5: {  	p0 =	sne.s32 s16, s26  }
.Ltmp11:
0xa6: {  	_ = 	snop;
	(pc) =	sbr.rel @p0 .LBB2_1-.Ltmp11, $3  }
0xa7: {  	_ =	sdelay $0x1  }
0xa8: {  	[sflag:s6] =	ssyncset.done $0x0  }
0xa9: {  	[sflag:s6] =	ssyncadd.s32 $0xFFFFE000  }
0xaa: {  	_ =	sfence.sel $0x180000  }
0xab: {  	[bflag:$0x0] =	sbarrier.arrive $0xFFFF  }
0xac: {  	_ =	strace $0x90000047  }
0xad: {  	s0 =	stileid.u32;
	[bflag:$0x2] =	sbarrier.arrive $0xFFFF  }
0xae: {  	p0 =	sne.s32 s0, $0x0;
	s0 =	rddreg [dreg:$0x2]  }
0xaf: {  	s0 =	sadd.s32 @!p0 $0x100000, s0  }
0xb0: {  	[sflag:s0] =	ssyncadd.tile.s32 @!p0 $0x1;
	_ =	shalt  }
.Lfunc_end2:
_tile_overlayer_lowered:
.L_overlay_start_2:
0xb1: {  	(tag) =	ssettag $0x2  }
0xb2: {  	s0 =	rddreg [dreg:$0x0];
	s2 =	stileid.u32  }
0xb3: {  	s1 =	rddreg [dreg:$0x1];
	p0 =	sne.s32 s2, $0x0  }
0xb4: {  	s3 =	rddreg [dreg:$0x2];
	[bflag:$0x3] =	sbarrier.arrive $0xFFFF;
	s2 =	simm.s32 @!p0 $0x1C0C  }
0xb5: {  	[timem:s3], [sflag:s2] =	dma.local @!p0 [hbm:s0], s1  }
0xb6: {  	s0 =	simm.s32 @!p0 $0xC  }
0xb7: {  	_ =	swait.ge @!p0 [sflag:s0], s1  }
0xb8: {  	s1 =	ssub.s32 @!p0 $0x0, s1;
	[sflag:s0] =	ssyncset.done @!p0 $0x0  }
0xb9: {  	[sflag:s0] =	ssyncadd.s32 @!p0 s1  }
0xba: {  	[bflag:$0x3] =	sbarrier.arrive $0xFFFF  }
0xbb: {  	_ =	shalt  }

// kernel: sparse-core-data-format-call.cloned.1.call-start
scs
called_computation_lowered:
.L_overlay_start_0:
0x0: {  	s2 =	sld [smem:$0x3FD9]  }
0x1: {  	s3 =	sld [smem:$0x3FFE];
	_ =	sdelay $0x1  }
0x2: {  	s1 =	srdreg.scid  }
0x3: {  	s0 =	sand.u32 $0x1, s1  }
0x4: {  	s18 =	sshll.u32 s0, $0xA;
	s2 =	sadd.s32 s3, s2  }
0x5: {  	s2 =	sadd.s32 s2, s18  }
0x6: {  	[smem:$0x3FC6] =	sst s2  }
0x7: {  	_ = 	snop  }
0x8: {  	s2 =	sld [smem:$0x3FD0];
	(tm) =	ssettm $0x1  }
0x9: {  	s19 =	sld [smem:$0x3FFB];
	_ =	sdelay $0x3  }
0xa: {  	_ =	strace s19  }
0xb: {  	s3 =	sld [smem:$0x3FFC];
	_ =	sdelay $0x3  }
0xc: {  	_ =	strace s3  }
0xd: {  	s3 =	sld [smem:$0x3FFD];
	_ =	sdelay $0x3  }
0xe: {  	_ =	strace s3  }
0xf: {  	_ =	strace $0x8FFFFFFF  }
0x10: {  	s20 =	sld [smem:$0x3FDB];
	_ =	sdelay $0x1  }
0x11: {  	s4 =	simm.s32 $_scs_section_size  }
0x12: {  	s5 =	simm.s32 $_size__tile_overlayer_lowered;
	s6 =	simm.s32 $_tile_overlayer_lowered  }
0x13: {  	s23 =	simm.s32 $0x1BFF;
	s22 =	sshll.u32 s6, $0x1;
	s3 =	sadd.s32 s4, s20  }
0x14: {  	s7 =	simm.s32 $0x0;
	s21 =	sshll.u32 s5, $0x1;
	s5 =	sadd.s32 s22, s3  }
0x15: {  	[timem:s7], [sflag:s23] =	dma.local [hbm:s5], s21  }
0x16: {  	_ =	swait.ge [sflag:s23], s21  }
0x17: {  	s4 =	ssub.s32 $0x0, s21;
	[sflag:s23] =	ssyncset.done $0x0  }
0x18: {  	[sflag:s23] =	ssyncadd.s32 s4;
	_ =	sdelay $0x1  }
0x19: {  	s24 =	simm.s32 $0x1B8B  }
0x1a: {  	_ =	swait.ge [sflag:s24], $0x1  }
0x1b: {  	[sflag:s24] =	ssyncset.done $0x0  }
0x1c: {  	s26 =	simm.s32 $0x1B8E;
	s25 =	sld [smem:$0x3FFE];
	[sflag:s24] =	ssyncadd.s32 $0xFFFFFFFF  }
0x1d: {  	s27 =	simm.s32 $execute0_lowered;
	[smem:$0x3FD2] =	sst s26  }
0x1e: {  	s5 =	sshll.u32 s27, $0x1;
	_ =	strace $0x80000049;
	[dreg:$0x1] =	wrdreg $0xFFFFFFFF  }
0x1f: {  	s28 =	simm.s32 $_size_execute0_lowered;
	s3 =	sadd.s32 s3, s5;
	[dreg:$0x0] =	wrdreg $0x0  }
0x20: {  	s5 =	sshll.u32 s28, $0x1;
	[dreg:$0x2] =	wrdreg s3  }
0x21: {  	[dreg:$0x3] =	wrdreg s5  }
0x22: {  	[dreg:$0x4] =	wrdreg $0xC0  }
0x23: {  	_ =	task [dreg:s7], $0x5FFFF  }
0x24: {  	[dreg:$0x1] =	wrdreg $0xFFFFFFFF  }
0x25: {  	[dreg:$0x0] =	wrdreg $0x60  }
0x26: {  	[dreg:$0x2] =	wrdreg s25  }
0x27: {  	[dreg:$0x3] =	wrdreg s2  }
0x28: {  	[dreg:$0x4] =	wrdreg $0x9  }
0x29: {  	_ =	task.clear_ibuf [dreg:s7], $0x5FFFF;
	_ =	strace $0x90000049  }
0x2a: {  	s29 =	simm.s32 $0x9;
	_ =	strace $0x8000004B  }
0x2b: {  	_ =	swait.ge [sflag:s29], $0x1  }
0x2c: {  	[sflag:s29] =	ssyncadd.s32 $0xFFFFFFFF  }
0x2d: {  	_ =	strace $0x9000004B  }
0x2e: {  	_ =	sfence  }
0x2f: {  	s30 =	sld [smem:$0x0];
	_ =	sdelay $0x2  }
0x30: {  	s31 =	sshll.u32 s1, $0xD;
	s1 =	sshrl.u32 s1, $0x2  }
0x31: {  	s3 =	sand.u32 $0x4000, s31;
	s1 =	sadd.s32 s1, s30  }
0x32: {  	s0 =	sor.u32 s3, s0;
	s1 =	sshll.u32 s1, $0x11  }
0x33: {  	s0 =	sor.u32 s1, s0  }
0x34: {  	s0 =	sadd.s32 $0x8F2B, s0  }
0x35: {  	[sflag:s0] =	ssyncadd.remote.s32 $0x1  }
0x36: {  	_ =	sfence.sel $0xFFFF  }
0x37: {  	[dreg:$0x0] =	wrdreg $0xFFFFFFFF;
	(pc) =	sbr.abs _section_cstart, $3  }
0x38: {  	[dreg:$0x1] =	wrdreg $0xFFFFFFFF  }
0x39: {  	_ =	task.clear_ibuf [dreg:s7], $0x2FFFF;
	_ =	strace $0x9FFFFFFF  }
0x3a: {  	(tm) =	ssettm $0x7FFFFFFF  }
0x3b: {  	_ =	shalt  }
tec
execute0_lowered:
.L_overlay_start_1:
0x0: {  	(tag) =	ssettag $0x1  }
0x1: {  	s0 =	srdreg.scid  }
0x2: {  	s1 =	sshll.u32 s0, $0x4  }
0x3: {  	s0 =	stileid.u32;
	s1 =	sand.u32 $0x10, s1  }
0x4: {  	s1 =	sor.u32 s0, s1  }
0x5: {  	s6 =	rddreg [dreg:$0x0];
	s4 =	simm.s32 $0x1;
	s2 =	sshll.u32 s1, $0x7  }
0x6: {  	s7 =	simm.s32 $0x2;
	s12 =	simm.s32 $0x0;
	s1 =	ssub.s32 $0x1000, s2  }
0x7: {  	s8 =	simm.s32 $0x8000;
	s13 =	simm.s32 $0x0;
	s3 =	sand.u32 $0xF80, s1  }
0x8: {  	s9 =	simm.s32 $0x0;
	s5 =	sshrl.u32 s1, $0xC;
	p0 =	sne.s32 s3, $0x0  }
.Ltmp0:
0x9: {  	s1 =	rddreg [dreg:$0x2];
	s4 =	simm.s32 @!p0 $0x0;
	(pc) =	sbr.rel .LBB1_1-.Ltmp0, $4  }
0xa: {  	s11 =	simm.s32 $0x0;
	s3 =	rddreg [dreg:$0x1];
	s5 =	sadd.s32 s4, s5  }
0xb: {  	_ =	strace $0x8000004A;
	s4 =	simm.s32 $0x1;
	s5 =	smul.u32 $0xC8, s5  }
0xc: {  	s6 =	sadd.s32 $0xA00, s6;
	s10 =	smov.u32 s2;
	[sflag:s4] =	ssyncpa.u1 $0x0  }
0xd: {  	p0 =	por $0x0, $0x0;
	[sflag:s7] =	ssyncpa.u1 $0x0;
	s7 =	sor.u32 $0x1, s5  }
.LBB1_4:
0xe: {  	s16 =	sshll.u32 s13, $0x3;
	s17 =	sand.u32 $0x78, s13  }
0xf: {  	s30 =	sand.u32 $0x7E00, s13;
	s12 =	sshll.u32 s12, $0xF;
	s16 =	sand.u32 $0xC00, s16  }
0x10: {  	[tilespmem:s15+$0x810 ss:$0x81] =	vst.msk $0xffff, v2;
	s31 =	sand.u32 $0x7, s13;
	s16 =	sor.u32 s17, s16;
	s17 =	sadd.s32 s3, s30  }
0x11: {  	[tilespmem:s15+$0x1020 ss:$0x81] =	vst.msk $0xffff, v0;
	s13 =	sshll.u32 s31, $0x12;
	s12 =	sadd.s32 s12, s17;
	s16 =	sshrl.u32 s16, $0x3  }
0x12: {  	[tilespmem:s15+$0x0 ss:$0x81] =	vst.msk $0xffff, v1;
	s13 =	sor.u32 $0x400, s13;
	s12 =	sadd.s32 s16, s12  }
0x13: {  	[hbm4b:s12+s13] =	stream.strided.scatter [tilespmem:s14], [sflag:$0x2], $0x2000, s8, s13, $0x20;
	[tilespmem:$0x8080] =	vst v63  }
.LBB1_5:
0x14: {  	s14 =	sadd.s32 $0x1, s9  }
0x15: {  	s12 =	sadd.s32 $0x1000, s10;
	s16 =	smov.u32 s10;
	p2 =	sgt.s32 s14, $0xC7  }
0x16: {  	s16 =	smov.u32 @p2 s12  }
0x17: {  	s14 =	simm.s32 @p2 $0x0;
	p2 =	sgt.s32 s16, $0xFFF  }
0x18: {  	s16 =	smov.u32 @p2 s2;
	p2 =	sne.s32 s11, s7  }
.Ltmp1:
0x19: {  	p1 =	slt.u32 s11, $0x2;
	(pc) =	sbr.rel @!p2 .LBB1_6-.Ltmp1, $4  }
0x1a: {  	s15 =	simm.s32 @!p1 $0x2  }
0x1b: {  	s13 =	smov.u32 s10;
	p0 =	por !p0, !p0;
	_ =	swait.ge @!p1 [sflag:s15], $0x2000  }
0x1c: {  	s12 =	smov.u32 s9;
	[sflag:s15] =	ssyncset.done @!p1 $0x0;
	s9 =	smov.u32 s14  }
0x1d: {  	s11 =	sadd.s32 $0x1, s11;
	[sflag:s15] =	ssyncadd.s32 @!p1 $0xFFFFE000;
	s10 =	smov.u32 s16  }
.LBB1_1:
0x1e: {  	p1 =	sge.u32 s11, s5  }
0x1f: {  	s14 =	sand.u32 @!p1 $0x1FFFFFF, s9  }
0x20: {  	s15 =	smulhi.u32 @!p1 $0x147AE15, s14;
	_ =	sdelay $0x1  }
0x21: {  	s15 =	smul.u32 @!p1 $0xC8, s15  }
0x22: {  	s16 =	sxor.u32 @!p1 $0xFFFFFFFF, s11;
	s17 =	smul.u32 @!p1 $0xC80, s10  }
0x23: {  	s31 =	sadd.s32 $0xFFFFFFFF, s11;
	s16 =	sshll.u32 @!p1 s16, $0xD;
	s14 =	ssub.s32 @!p1 s14, s15  }
0x24: {  	s15 =	sand.u32 @!p1 $0x2000, s16;
	s16 =	sadd.s32 @!p1 s6, s17;
	s14 =	sshll.u32 @!p1 s14, $0x4  }
0x25: {  	s17 =	simm.s32 @!p1 $0x6400;
	s14 =	sadd.s32 @!p1 s14, s16;
	s16 =	simm.s32 @!p1 $0x40  }
0x26: {  	[tilespmem:s15], [sflag:$0x1] =	stream.strided.gather @!p1 [hbm4b:s14+s16], $0x2000, s17, s16, $0x38;
	[tilespmem:$0x8080] =	vst v63  }
0x27: {  	p1 =	sge.u32 s31, s5  }
.Ltmp2:
0x28: {  	_ = 	snop;
	(pc) =	sbr.rel @p1 .LBB1_5-.Ltmp2, $1  }
0x29: {  	_ =	sdelay $0x3  }
0x2a: {  	s14 =	simm.s32 $0x1  }
0x2b: {  	_ =	swait.ge [sflag:s4], $0x2000;
	s14 =	simm.s32 @!p0 $0x0  }
0x2c: {  	[sflag:s4] =	ssyncset.done $0x0;
	s15 =	sshll.u32 s14, $0xD  }
0x2d: {  	[sflag:s4] =	ssyncadd.s32 $0xFFFFE000;
	s18 =	sor.u32 $0x20, s15  }
0x2e: {  	s14 =	smul.u32 $0x8100, s14;
	v3 =	vld [tilespmem:s18+$0x10]  }
0x2f: {  	s30 =	sand.u32 $0x1, s11;
	v2 =	vld [tilespmem:s18+$0xFFFFFFF0]  }
0x30: {  	s15 =	smul.u32 $0x8100, s30;
	s14 =	sshrl.u32 s14, $0x2;
	v0 =	vld [tilespmem:s18+$0x0]  }
0x31: {  	v1 =	vld [tilespmem:s18+$0xFFFFFFE0];
	s16 =	sor.u32 $0x4000, s14  }
0x32: {  	s31 =	sshrl.u32 s15, $0x2;
	s15 =	sadd.s32 $0x0, s16  }
0x33: {  	s17 =	simm.s32 $0x4;
	s18 =	sadd.s32 $0x40, s18;
	s14 =	sor.u32 $0x4000, s31;
	[tilespmem:s15+$0x1830 ss:$0x81] =	vst.msk $0xffff, v3  }
.LBB1_3:
0x34: {  	v3 =	vld [tilespmem:s18+$0x10];
	p1 =	sne.s32 s17, $0x1FC;
	[tilespmem:s15+$0x810 ss:$0x81] =	vst.msk $0xffff, v2;
	s19 =	smov.u32 s17;
	s17 =	sadd.s32 $0x4, s17  }
.Ltmp3:
0x35: {  	v2 =	vld [tilespmem:s18+$0xFFFFFFF0];
	[tilespmem:s15+$0x1020 ss:$0x81] =	vst.msk $0xffff, v0;
	(pc) =	sbr.rel @p1 .LBB1_3-.Ltmp3, $4  }
0x36: {  	v0 =	vld [tilespmem:s18+$0x0];
	[tilespmem:s15+$0x0 ss:$0x81] =	vst.msk $0xffff, v1  }
0x37: {  	s15 =	sshra.s32 s19, $0x2;
	v1 =	vld [tilespmem:s18+$0xFFFFFFE0]  }
0x38: {  	s15 =	sadd.s32 s15, s16  }
0x39: {  	s18 =	sadd.s32 $0x40, s18;
	[tilespmem:s15+$0x1830 ss:$0x81] =	vst.msk $0xffff, v3  }
.Ltmp4:
0x3a: {  	_ = 	snop;
	(pc) =	sbr.rel .LBB1_4-.Ltmp4, $1  }
0x3b: {  	_ =	sdelay $0x3  }
.LBB1_6:
0x3c: {  	_ =	sfence.sel $0x180000  }
0x3d: {  	s2 =	simm.s32 $0x1;
	[bflag:$0x0] =	sbarrier.arrive $0xFFFF  }
0x3e: {  	s31 =	simm.s32 $0x2;
	[sflag:s2] =	ssyncpa.u1 $0x1  }
0x3f: {  	[sflag:s31] =	ssyncpa.u1 $0x1  }
0x40: {  	p0 =	sne.s32 s0, $0x0;
	_ =	strace $0x9000004A  }
0x41: {  	s0 =	sadd.s32 @!p0 $0x100000, s1;
	[bflag:$0x2] =	sbarrier.arrive $0xFFFF  }
0x42: {  	[sflag:s0] =	ssyncadd.tile.s32 @!p0 $0x1;
	_ =	shalt  }
.Lfunc_end1:
_tile_overlayer_lowered:
.L_overlay_start_2:
0x43: {  	(tag) =	ssettag $0x2  }
0x44: {  	s0 =	rddreg [dreg:$0x0];
	s2 =	stileid.u32  }
0x45: {  	s1 =	rddreg [dreg:$0x1];
	p0 =	sne.s32 s2, $0x0  }
0x46: {  	s3 =	rddreg [dreg:$0x2];
	[bflag:$0x3] =	sbarrier.arrive $0xFFFF;
	s2 =	simm.s32 @!p0 $0x1C01  }
0x47: {  	[timem:s3], [sflag:s2] =	dma.local @!p0 [hbm:s0], s1  }
0x48: {  	s0 =	simm.s32 @!p0 $0x1  }
0x49: {  	_ =	swait.ge @!p0 [sflag:s0], s1  }
0x4a: {  	s1 =	ssub.s32 @!p0 $0x0, s1;
	[sflag:s0] =	ssyncset.done @!p0 $0x0  }
0x4b: {  	[sflag:s0] =	ssyncadd.s32 @!p0 s1  }
0x4c: {  	[bflag:$0x3] =	sbarrier.arrive $0xFFFF  }
0x4d: {  	_ =	shalt  }

</sc_bundles>
